<compile_context>
chip_gen: v7x
topology: tpu7x:2x2x1
jax: 0.10.2.dev20260603
libtpu: 0.0.44.dev20260713+nightly
codegen_flags: <defaults>
</compile_context>

<pallas_src>
import functools

import jax
import jax.numpy as jnp
from jax import lax
from jax.experimental import pallas as pl
from jax.experimental.pallas import tpu as pltpu
from jax.experimental.pallas import tpu_sc as plsc

B, R, C = 4, 4096, 2048
NROWS = B * R
NW = 32
ROWS_PER_W = NROWS // NW
G = 8
NCHUNK = ROWS_PER_W // G
NLANE = 16
JCHUNK = C // NLANE


def _make_kernel():
    mesh = plsc.VectorSubcoreMesh(core_axis_name="c", subcore_axis_name="s")

    @functools.partial(
        pl.kernel,
        mesh=mesh,
        out_type=jax.ShapeDtypeStruct((NROWS, C), jnp.float32),
        compiler_params=pltpu.CompilerParams(needs_layout_passes=False),
        scratch_types=[
            pltpu.VMEM((NCHUNK, G), jnp.int32),
            pltpu.VMEM((C,), jnp.int32),
            pltpu.VMEM((G, C), jnp.float32),
            pltpu.VMEM((G, C), jnp.float32),
            pltpu.VMEM((G, C), jnp.float32),
            pltpu.VMEM((G, C), jnp.float32),
            pltpu.VMEM((G, C), jnp.float32),
            pltpu.VMEM((G, C), jnp.float32),
            pltpu.SemaphoreType.DMA,
            pltpu.SemaphoreType.DMA,
            pltpu.SemaphoreType.DMA,
            pltpu.SemaphoreType.DMA,
            pltpu.SemaphoreType.DMA,
            pltpu.SemaphoreType.DMA,
        ],
    )
    def k(tens, ridx, cperm, out, idx_v, cperm_v,
          in0, in1, in2, in3, out0, out1,
          isem0, isem1, isem2, isem3, osem0, osem1):
        w = lax.axis_index("s") * 2 + lax.axis_index("c")
        pltpu.sync_copy(ridx.at[w], idx_v)
        pltpu.sync_copy(cperm, cperm_v)
        row_base = w * ROWS_PER_W

        inbufs = (in0, in1, in2, in3)
        isems = (isem0, isem1, isem2, isem3)
        outbufs = (out0, out1)
        osems = (osem0, osem1)

        for c0 in range(4):
            pltpu.async_copy(tens.at[idx_v.at[c0]], inbufs[c0], isems[c0])

        def permute(inbuf, outbuf):
            @plsc.parallel_loop(0, JCHUNK, unroll=8)
            def _(j):
                idx16 = cperm_v[pl.ds(j * NLANE, NLANE)]
                for r in range(G):
                    ridx16 = jnp.full((NLANE,), r, dtype=jnp.int32)
                    outbuf[r, pl.ds(j * NLANE, NLANE)] = plsc.load_gather(
                        inbuf, [ridx16, idx16]
                    )

        def quad_body(t, carry):
            for p in range(4):
                c = 4 * t + p
                op = p % 2
                inbuf, outbuf = inbufs[p], outbufs[op]
                pltpu.make_async_copy(tens.at[idx_v.at[c]], inbuf, isems[p]).wait()

                @pl.when(c >= 2)
                def _():
                    pltpu.make_async_copy(
                        outbuf, out.at[pl.ds(row_base + (c - 2) * G, G)], osems[op]
                    ).wait()

                permute(inbuf, outbuf)
                pltpu.async_copy(
                    outbuf, out.at[pl.ds(row_base + c * G, G)], osems[op]
                )

                @pl.when(c + 4 < NCHUNK)
                def _():
                    pltpu.async_copy(tens.at[idx_v.at[c + 4]], inbuf, isems[p])
            return carry

        lax.fori_loop(0, NCHUNK // 4, quad_body, 0)

        for p in range(2):
            c_last = NCHUNK - 2 + p
            pltpu.make_async_copy(
                outbufs[p], out.at[pl.ds(row_base + c_last * G, G)], osems[p]
            ).wait()

    return k


_sc_permute = _make_kernel()


@jax.jit
def kernel(tensor, rowperm, colperm):
    t2 = tensor.reshape(NROWS, C)
    ridx = (
        jnp.arange(B, dtype=jnp.int32)[:, None] * R
        + rowperm.astype(jnp.int32)[None, :]
    ).reshape(NW, NCHUNK, G)
    out = _sc_permute(t2, ridx, colperm.astype(jnp.int32))
    return out.reshape(B, R, C)

# --- scband reference (transcript-rebuilt; emitter-appended) ---
"""Pipeline reference for scband-row-col-permute-55748675502284 (READ-ONLY COPY).

The authoritative reference and input builder live on the scoring server;
editing this copy changes nothing except your own understanding.
"""

import jax, jax.numpy as jnp
import numpy as np


def setup_inputs(seed: int = 0) -> dict:
    key = jax.random.key(seed)
    k1, k2, k3 = jax.random.split(key, 3)
    tensor = jax.random.normal(k1, (4, 4096, 2048), dtype=jnp.float32)
    # permutations are fixed (buffer-like) constants created at module init
    rowperm = jax.random.permutation(k2, 4096)
    colperm = jax.random.permutation(k3, 2048)
    return {"tensor": tensor, "rowperm": rowperm, "colperm": colperm}


def reference(tensor, rowperm, colperm):
    # tensor[:, rowperm][:, :, colperm]
    out = jnp.take(tensor, rowperm, axis=1)
    out = jnp.take(out, colperm, axis=2)
    return out

if __name__ == "__main__":
    import jax
    _d = setup_inputs()
    print(jax.jit(kernel)(*tuple(_d.values())))

</pallas_src>

<mosaic_0001>
#map = affine_map<(d0, d1) -> (0, 0)>
#map1 = affine_map<(d0, d1) -> (0, 0, 0)>
#map2 = affine_map<(d0, d1) -> (0)>
module attributes {stable_mosaic.version = 14 : i64} {
  func.func @k(%arg0: i32, %arg1: i32, %arg2: memref<16384x2048xf32, #tpu.memory_space<hbm>>, %arg3: memref<32x64x8xi32, #tpu.memory_space<hbm>>, %arg4: memref<2048xi32, #tpu.memory_space<hbm>>, %arg5: memref<16384x2048xf32, #tpu.memory_space<hbm>>, %arg6: memref<64x8xi32, #tpu.memory_space<vmem>>, %arg7: memref<2048xi32, #tpu.memory_space<vmem>>, %arg8: memref<8x2048xf32, #tpu.memory_space<vmem>>, %arg9: memref<8x2048xf32, #tpu.memory_space<vmem>>, %arg10: memref<8x2048xf32, #tpu.memory_space<vmem>>, %arg11: memref<8x2048xf32, #tpu.memory_space<vmem>>, %arg12: memref<8x2048xf32, #tpu.memory_space<vmem>>, %arg13: memref<8x2048xf32, #tpu.memory_space<vmem>>, %arg14: memref<!tpu.dma_semaphore, #tpu.memory_space<semaphore_mem>>, %arg15: memref<!tpu.dma_semaphore, #tpu.memory_space<semaphore_mem>>, %arg16: memref<!tpu.dma_semaphore, #tpu.memory_space<semaphore_mem>>, %arg17: memref<!tpu.dma_semaphore, #tpu.memory_space<semaphore_mem>>, %arg18: memref<!tpu.dma_semaphore, #tpu.memory_space<semaphore_mem>>, %arg19: memref<!tpu.dma_semaphore, #tpu.memory_space<semaphore_mem>>) attributes {dimension_semantics = [#tpu.dimension_semantics<core_parallel>, #tpu.dimension_semantics<subcore_parallel>], iteration_bounds = array<i64: 2, 16>, scalar_prefetch = 0 : i64, scratch_operands = 14 : i64, tpu.core_type = #tpu.core_type<sc_vector_subcore>, window_params = [{transform_indices = #map}, {transform_indices = #map1}, {transform_indices = #map2}, {transform_indices = #map}]} {
    %mul3A = arith.constant 2 : i32
    %mul3A_0 = arith.muli %arg1, %mul3A : i32
    %add3A = arith.addi %mul3A_0, %arg0 : i32
    "tpu.region"() ({
      %run_scoped3A = tpu.sem_alloc : memref<!tpu.dma_semaphore, #tpu.memory_space<semaphore_mem>>
      %dma_start3A_46 = arith.constant 0 : i32
      %dma_start3A_47 = arith.constant 0 : i32
      %dma_start3A_48 = tpu.memref_slice %arg3[%add3A, %dma_start3A_46, %dma_start3A_47] : memref<32x64x8xi32, #tpu.memory_space<hbm>> -> memref<1x64x8xi32, #tpu.memory_space<hbm>>
      %dma_start3A_49 = tpu.memref_squeeze %dma_start3A_48 : memref<1x64x8xi32, #tpu.memory_space<hbm>> -> memref<64x8xi32, #tpu.memory_space<hbm>>
      %dma_start3A_50 = arith.constant 0 : i32
      %dma_start3A_51 = arith.constant 0 : i32
      %dma_start3A_52 = tpu.memref_slice %arg3[%add3A, %dma_start3A_50, %dma_start3A_51] : memref<32x64x8xi32, #tpu.memory_space<hbm>> -> memref<1x64x8xi32, #tpu.memory_space<hbm>>
      %dma_start3A_53 = tpu.memref_squeeze %dma_start3A_52 : memref<1x64x8xi32, #tpu.memory_space<hbm>> -> memref<64x8xi32, #tpu.memory_space<hbm>>
      tpu.enqueue_dma source(%dma_start3A_53 : memref<64x8xi32, #tpu.memory_space<hbm>>) target(%arg6 : memref<64x8xi32, #tpu.memory_space<vmem>>) target_semaphore(%run_scoped3A : memref<!tpu.dma_semaphore, #tpu.memory_space<semaphore_mem>>)
      %dma_wait3A_54 = arith.constant 0 : i32
      %dma_wait3A_55 = arith.constant 0 : i32
      %dma_wait3A_56 = tpu.memref_slice %arg3[%add3A, %dma_wait3A_54, %dma_wait3A_55] : memref<32x64x8xi32, #tpu.memory_space<hbm>> -> memref<1x64x8xi32, #tpu.memory_space<hbm>>
      %dma_wait3A_57 = tpu.memref_squeeze %dma_wait3A_56 : memref<1x64x8xi32, #tpu.memory_space<hbm>> -> memref<64x8xi32, #tpu.memory_space<hbm>>
      %dma_wait3A_58 = arith.constant 0 : i32
      %dma_wait3A_59 = arith.constant 0 : i32
      %dma_wait3A_60 = tpu.memref_slice %arg3[%add3A, %dma_wait3A_58, %dma_wait3A_59] : memref<32x64x8xi32, #tpu.memory_space<hbm>> -> memref<1x64x8xi32, #tpu.memory_space<hbm>>
      %dma_wait3A_61 = tpu.memref_squeeze %dma_wait3A_60 : memref<1x64x8xi32, #tpu.memory_space<hbm>> -> memref<64x8xi32, #tpu.memory_space<hbm>>
      tpu.wait_dma2 semaphore(%run_scoped3A : memref<!tpu.dma_semaphore, #tpu.memory_space<semaphore_mem>>) src(%dma_wait3A_61 : memref<64x8xi32, #tpu.memory_space<hbm>>) dst(%arg6 : memref<64x8xi32, #tpu.memory_space<vmem>>)
      tpu.yield
    }) : () -> ()
    "tpu.region"() ({
      %run_scoped3A = tpu.sem_alloc : memref<!tpu.dma_semaphore, #tpu.memory_space<semaphore_mem>>
      tpu.enqueue_dma source(%arg4 : memref<2048xi32, #tpu.memory_space<hbm>>) target(%arg7 : memref<2048xi32, #tpu.memory_space<vmem>>) target_semaphore(%run_scoped3A : memref<!tpu.dma_semaphore, #tpu.memory_space<semaphore_mem>>)
      tpu.wait_dma2 semaphore(%run_scoped3A : memref<!tpu.dma_semaphore, #tpu.memory_space<semaphore_mem>>) src(%arg4 : memref<2048xi32, #tpu.memory_space<hbm>>) dst(%arg7 : memref<2048xi32, #tpu.memory_space<vmem>>)
      tpu.yield
    }) : () -> ()
    %mul3A_1 = arith.constant 512 : i32
    %mul3A_2 = arith.muli %add3A, %mul3A_1 : i32
    %dma_start3A = arith.constant 0 : i32
    %dma_start3A_3 = arith.constant 0 : i32
    %dma_start3A_4 = tpu.memref_slice %arg6[%dma_start3A, %dma_start3A_3] : memref<64x8xi32, #tpu.memory_space<vmem>> -> memref<1x8xi32, #tpu.memory_space<vmem>>
    %dma_start3A_5 = tpu.memref_squeeze %dma_start3A_4 : memref<1x8xi32, #tpu.memory_space<vmem>> -> memref<8xi32, #tpu.memory_space<vmem>>
    %dma_start3A_6 = arith.constant 0 : i32
    %dma_start3A_7 = arith.constant 0 : i32
    %dma_start3A_8 = tpu.memref_slice %arg2[%dma_start3A_6, %dma_start3A_7] : memref<16384x2048xf32, #tpu.memory_space<hbm>> -> memref<16384x2048xf32, #tpu.memory_space<hbm>>
    tpu.enqueue_indirect_dma source(%dma_start3A_8 : memref<16384x2048xf32, #tpu.memory_space<hbm>>) target(%arg8 : memref<8x2048xf32, #tpu.memory_space<vmem>>) offsets(%dma_start3A_5 : memref<8xi32, #tpu.memory_space<vmem>>) semaphore(%arg14 : memref<!tpu.dma_semaphore, #tpu.memory_space<semaphore_mem>>)
    %dma_start3A_9 = arith.constant 1 : i32
    %dma_start3A_10 = arith.constant 0 : i32
    %dma_start3A_11 = tpu.memref_slice %arg6[%dma_start3A_9, %dma_start3A_10] : memref<64x8xi32, #tpu.memory_space<vmem>> -> memref<1x8xi32, #tpu.memory_space<vmem>>
    %dma_start3A_12 = tpu.memref_squeeze %dma_start3A_11 : memref<1x8xi32, #tpu.memory_space<vmem>> -> memref<8xi32, #tpu.memory_space<vmem>>
    %dma_start3A_13 = arith.constant 0 : i32
    %dma_start3A_14 = arith.constant 0 : i32
    %dma_start3A_15 = tpu.memref_slice %arg2[%dma_start3A_13, %dma_start3A_14] : memref<16384x2048xf32, #tpu.memory_space<hbm>> -> memref<16384x2048xf32, #tpu.memory_space<hbm>>
    tpu.enqueue_indirect_dma source(%dma_start3A_15 : memref<16384x2048xf32, #tpu.memory_space<hbm>>) target(%arg9 : memref<8x2048xf32, #tpu.memory_space<vmem>>) offsets(%dma_start3A_12 : memref<8xi32, #tpu.memory_space<vmem>>) semaphore(%arg15 : memref<!tpu.dma_semaphore, #tpu.memory_space<semaphore_mem>>)
    %dma_start3A_16 = arith.constant 2 : i32
    %dma_start3A_17 = arith.constant 0 : i32
    %dma_start3A_18 = tpu.memref_slice %arg6[%dma_start3A_16, %dma_start3A_17] : memref<64x8xi32, #tpu.memory_space<vmem>> -> memref<1x8xi32, #tpu.memory_space<vmem>>
    %dma_start3A_19 = tpu.memref_squeeze %dma_start3A_18 : memref<1x8xi32, #tpu.memory_space<vmem>> -> memref<8xi32, #tpu.memory_space<vmem>>
    %dma_start3A_20 = arith.constant 0 : i32
    %dma_start3A_21 = arith.constant 0 : i32
    %dma_start3A_22 = tpu.memref_slice %arg2[%dma_start3A_20, %dma_start3A_21] : memref<16384x2048xf32, #tpu.memory_space<hbm>> -> memref<16384x2048xf32, #tpu.memory_space<hbm>>
    tpu.enqueue_indirect_dma source(%dma_start3A_22 : memref<16384x2048xf32, #tpu.memory_space<hbm>>) target(%arg10 : memref<8x2048xf32, #tpu.memory_space<vmem>>) offsets(%dma_start3A_19 : memref<8xi32, #tpu.memory_space<vmem>>) semaphore(%arg16 : memref<!tpu.dma_semaphore, #tpu.memory_space<semaphore_mem>>)
    %dma_start3A_23 = arith.constant 3 : i32
    %dma_start3A_24 = arith.constant 0 : i32
    %dma_start3A_25 = tpu.memref_slice %arg6[%dma_start3A_23, %dma_start3A_24] : memref<64x8xi32, #tpu.memory_space<vmem>> -> memref<1x8xi32, #tpu.memory_space<vmem>>
    %dma_start3A_26 = tpu.memref_squeeze %dma_start3A_25 : memref<1x8xi32, #tpu.memory_space<vmem>> -> memref<8xi32, #tpu.memory_space<vmem>>
    %dma_start3A_27 = arith.constant 0 : i32
    %dma_start3A_28 = arith.constant 0 : i32
    %dma_start3A_29 = tpu.memref_slice %arg2[%dma_start3A_27, %dma_start3A_28] : memref<16384x2048xf32, #tpu.memory_space<hbm>> -> memref<16384x2048xf32, #tpu.memory_space<hbm>>
    tpu.enqueue_indirect_dma source(%dma_start3A_29 : memref<16384x2048xf32, #tpu.memory_space<hbm>>) target(%arg11 : memref<8x2048xf32, #tpu.memory_space<vmem>>) offsets(%dma_start3A_26 : memref<8xi32, #tpu.memory_space<vmem>>) semaphore(%arg17 : memref<!tpu.dma_semaphore, #tpu.memory_space<semaphore_mem>>)
    %scan3A = arith.constant 0 : i32
    %scan3A_30 = arith.constant 0 : i32
    %scan3A_31 = arith.constant 16 : i32
    %scan3A_32 = arith.addi %scan3A_30, %scan3A_31 : i32
    %scan3A_33 = arith.constant 1 : i32
    scf.for %scan3A_46 = %scan3A_30 to %scan3A_32 step %scan3A_33  : i32 {
      %mul3A_47 = arith.constant 4 : i32
      %mul3A_48 = arith.muli %mul3A_47, %scan3A_46 : i32
      %add3A_49 = arith.constant 0 : i32
      %add3A_50 = arith.addi %mul3A_48, %add3A_49 : i32
      %dma_wait3A_51 = arith.constant 0 : i32
      %dma_wait3A_52 = tpu.memref_slice %arg6[%add3A_50, %dma_wait3A_51] : memref<64x8xi32, #tpu.memory_space<vmem>> -> memref<1x8xi32, #tpu.memory_space<vmem>>
      %dma_wait3A_53 = tpu.memref_squeeze %dma_wait3A_52 : memref<1x8xi32, #tpu.memory_space<vmem>> -> memref<8xi32, #tpu.memory_space<vmem>>
      %dma_wait3A_54 = arith.constant 0 : i32
      %dma_wait3A_55 = arith.constant 0 : i32
      %dma_wait3A_56 = tpu.memref_slice %arg2[%dma_wait3A_54, %dma_wait3A_55] : memref<16384x2048xf32, #tpu.memory_space<hbm>> -> memref<16384x2048xf32, #tpu.memory_space<hbm>>
      tpu.wait_indirect_dma semaphore(%arg14 : memref<!tpu.dma_semaphore, #tpu.memory_space<semaphore_mem>>) src(%dma_wait3A_56 : memref<16384x2048xf32, #tpu.memory_space<hbm>>) dst(%arg8 : memref<8x2048xf32, #tpu.memory_space<vmem>>)
      %ge3A = arith.constant 2 : i32
      %ge3A_57 = arith.cmpi sge, %add3A_50, %ge3A : i32
      %convert_element_type3A = arith.extui %ge3A_57 : i1 to i32
      %cond3A = arith.constant 0 : i32
      %cond3A_58 = arith.cmpi ne, %convert_element_type3A, %cond3A : i32
      scf.if %cond3A_58 {
        %sub3A = arith.constant 2 : i32
        %sub3A_170 = arith.subi %add3A_50, %sub3A : i32
        %mul3A_171 = arith.constant 8 : i32
        %mul3A_172 = arith.muli %sub3A_170, %mul3A_171 : i32
        %add3A_173 = arith.addi %mul3A_2, %mul3A_172 : i32
        %dma_wait3A_174 = arith.constant 0 : i32
        %dma_wait3A_175 = tpu.memref_slice %arg5[%add3A_173, %dma_wait3A_174] : memref<16384x2048xf32, #tpu.memory_space<hbm>> -> memref<8x2048xf32, #tpu.memory_space<hbm>>
        %dma_wait3A_176 = arith.constant 0 : i32
        %dma_wait3A_177 = tpu.memref_slice %arg5[%add3A_173, %dma_wait3A_176] : memref<16384x2048xf32, #tpu.memory_space<hbm>> -> memref<8x2048xf32, #tpu.memory_space<hbm>>
        tpu.wait_dma2 semaphore(%arg18 : memref<!tpu.dma_semaphore, #tpu.memory_space<semaphore_mem>>) src(%arg12 : memref<8x2048xf32, #tpu.memory_space<vmem>>) dst(%dma_wait3A_177 : memref<8x2048xf32, #tpu.memory_space<hbm>>)
      } else {
      }
      %parallel_loop3A = arith.constant 0 : i32
      %parallel_loop3A_59 = arith.constant 128 : i32
      %parallel_loop3A_60 = arith.constant 1 : i32
      scf.for %parallel_loop3A_170 = %parallel_loop3A to %parallel_loop3A_59 step %parallel_loop3A_60  : i32 {
        %parallel_loop3A_171 = arith.constant 16 : i32
        %parallel_loop3A_172 = arith.muli %parallel_loop3A_170, %parallel_loop3A_171 : i32
        %parallel_loop3A_173 = arith.index_cast %parallel_loop3A_172 : i32 to index
        %parallel_loop3A_174 = tpu.vector_load %arg7[%parallel_loop3A_173] {strides = array<i32>} : memref<2048xi32, #tpu.memory_space<vmem>>, vector<16xi32>,
        %parallel_loop3A_175 = arith.constant 0 : i32
        %parallel_loop3A_176 = vector.broadcast %parallel_loop3A_175 : i32 to vector<16xi32>
        %parallel_loop3A_177 = tpu.vector_load_idx %arg8[%parallel_loop3A_176, %parallel_loop3A_174] : memref<8x2048xf32, #tpu.memory_space<vmem>>[vector<16xi32>, vector<16xi32>], vector<16xf32>,
        %parallel_loop3A_178 = arith.constant 16 : i32
        %parallel_loop3A_179 = arith.muli %parallel_loop3A_170, %parallel_loop3A_178 : i32
        %parallel_loop3A_180 = arith.constant 0 : i32
        %parallel_loop3A_181 = arith.index_cast %parallel_loop3A_180 : i32 to index
        %parallel_loop3A_182 = arith.index_cast %parallel_loop3A_179 : i32 to index
        %parallel_loop3A_183 = tpu.vector_load %arg12[%parallel_loop3A_181, %parallel_loop3A_182] {strides = array<i32>} : memref<8x2048xf32, #tpu.memory_space<vmem>>, vector<16xf32>,
        tpu.vector_store %arg12[%parallel_loop3A_181, %parallel_loop3A_182], %parallel_loop3A_177 {strides = array<i32>} : memref<8x2048xf32, #tpu.memory_space<vmem>>, vector<16xf32>,
        %parallel_loop3A_184 = arith.constant 1 : i32
        %parallel_loop3A_185 = vector.broadcast %parallel_loop3A_184 : i32 to vector<16xi32>
        %parallel_loop3A_186 = tpu.vector_load_idx %arg8[%parallel_loop3A_185, %parallel_loop3A_174] : memref<8x2048xf32, #tpu.memory_space<vmem>>[vector<16xi32>, vector<16xi32>], vector<16xf32>,
        %parallel_loop3A_187 = arith.constant 16 : i32
        %parallel_loop3A_188 = arith.muli %parallel_loop3A_170, %parallel_loop3A_187 : i32
        %parallel_loop3A_189 = arith.constant 1 : i32
        %parallel_loop3A_190 = arith.index_cast %parallel_loop3A_189 : i32 to index
        %parallel_loop3A_191 = arith.index_cast %parallel_loop3A_188 : i32 to index
        %parallel_loop3A_192 = tpu.vector_load %arg12[%parallel_loop3A_190, %parallel_loop3A_191] {strides = array<i32>} : memref<8x2048xf32, #tpu.memory_space<vmem>>, vector<16xf32>,
        tpu.vector_store %arg12[%parallel_loop3A_190, %parallel_loop3A_191], %parallel_loop3A_186 {strides = array<i32>} : memref<8x2048xf32, #tpu.memory_space<vmem>>, vector<16xf32>,
        %parallel_loop3A_193 = arith.constant 2 : i32
        %parallel_loop3A_194 = vector.broadcast %parallel_loop3A_193 : i32 to vector<16xi32>
        %parallel_loop3A_195 = tpu.vector_load_idx %arg8[%parallel_loop3A_194, %parallel_loop3A_174] : memref<8x2048xf32, #tpu.memory_space<vmem>>[vector<16xi32>, vector<16xi32>], vector<16xf32>,
        %parallel_loop3A_196 = arith.constant 16 : i32
        %parallel_loop3A_197 = arith.muli %parallel_loop3A_170, %parallel_loop3A_196 : i32
        %parallel_loop3A_198 = arith.constant 2 : i32
        %parallel_loop3A_199 = arith.index_cast %parallel_loop3A_198 : i32 to index
        %parallel_loop3A_200 = arith.index_cast %parallel_loop3A_197 : i32 to index
        %parallel_loop3A_201 = tpu.vector_load %arg12[%parallel_loop3A_199, %parallel_loop3A_200] {strides = array<i32>} : memref<8x2048xf32, #tpu.memory_space<vmem>>, vector<16xf32>,
        tpu.vector_store %arg12[%parallel_loop3A_199, %parallel_loop3A_200], %parallel_loop3A_195 {strides = array<i32>} : memref<8x2048xf32, #tpu.memory_space<vmem>>, vector<16xf32>,
        %parallel_loop3A_202 = arith.constant 3 : i32
        %parallel_loop3A_203 = vector.broadcast %parallel_loop3A_202 : i32 to vector<16xi32>
        %parallel_loop3A_204 = tpu.vector_load_idx %arg8[%parallel_loop3A_203, %parallel_loop3A_174] : memref<8x2048xf32, #tpu.memory_space<vmem>>[vector<16xi32>, vector<16xi32>], vector<16xf32>,
        %parallel_loop3A_205 = arith.constant 16 : i32
        %parallel_loop3A_206 = arith.muli %parallel_loop3A_170, %parallel_loop3A_205 : i32
        %parallel_loop3A_207 = arith.constant 3 : i32
        %parallel_loop3A_208 = arith.index_cast %parallel_loop3A_207 : i32 to index
        %parallel_loop3A_209 = arith.index_cast %parallel_loop3A_206 : i32 to index
        %parallel_loop3A_210 = tpu.vector_load %arg12[%parallel_loop3A_208, %parallel_loop3A_209] {strides = array<i32>} : memref<8x2048xf32, #tpu.memory_space<vmem>>, vector<16xf32>,
        tpu.vector_store %arg12[%parallel_loop3A_208, %parallel_loop3A_209], %parallel_loop3A_204 {strides = array<i32>} : memref<8x2048xf32, #tpu.memory_space<vmem>>, vector<16xf32>,
        %parallel_loop3A_211 = arith.constant 4 : i32
        %parallel_loop3A_212 = vector.broadcast %parallel_loop3A_211 : i32 to vector<16xi32>
        %parallel_loop3A_213 = tpu.vector_load_idx %arg8[%parallel_loop3A_212, %parallel_loop3A_174] : memref<8x2048xf32, #tpu.memory_space<vmem>>[vector<16xi32>, vector<16xi32>], vector<16xf32>,
        %parallel_loop3A_214 = arith.constant 16 : i32
        %parallel_loop3A_215 = arith.muli %parallel_loop3A_170, %parallel_loop3A_214 : i32
        %parallel_loop3A_216 = arith.constant 4 : i32
        %parallel_loop3A_217 = arith.index_cast %parallel_loop3A_216 : i32 to index
        %parallel_loop3A_218 = arith.index_cast %parallel_loop3A_215 : i32 to index
        %parallel_loop3A_219 = tpu.vector_load %arg12[%parallel_loop3A_217, %parallel_loop3A_218] {strides = array<i32>} : memref<8x2048xf32, #tpu.memory_space<vmem>>, vector<16xf32>,
        tpu.vector_store %arg12[%parallel_loop3A_217, %parallel_loop3A_218], %parallel_loop3A_213 {strides = array<i32>} : memref<8x2048xf32, #tpu.memory_space<vmem>>, vector<16xf32>,
        %parallel_loop3A_220 = arith.constant 5 : i32
        %parallel_loop3A_221 = vector.broadcast %parallel_loop3A_220 : i32 to vector<16xi32>
        %parallel_loop3A_222 = tpu.vector_load_idx %arg8[%parallel_loop3A_221, %parallel_loop3A_174] : memref<8x2048xf32, #tpu.memory_space<vmem>>[vector<16xi32>, vector<16xi32>], vector<16xf32>,
        %parallel_loop3A_223 = arith.constant 16 : i32
        %parallel_loop3A_224 = arith.muli %parallel_loop3A_170, %parallel_loop3A_223 : i32
        %parallel_loop3A_225 = arith.constant 5 : i32
        %parallel_loop3A_226 = arith.index_cast %parallel_loop3A_225 : i32 to index
        %parallel_loop3A_227 = arith.index_cast %parallel_loop3A_224 : i32 to index
        %parallel_loop3A_228 = tpu.vector_load %arg12[%parallel_loop3A_226, %parallel_loop3A_227] {strides = array<i32>} : memref<8x2048xf32, #tpu.memory_space<vmem>>, vector<16xf32>,
        tpu.vector_store %arg12[%parallel_loop3A_226, %parallel_loop3A_227], %parallel_loop3A_222 {strides = array<i32>} : memref<8x2048xf32, #tpu.memory_space<vmem>>, vector<16xf32>,
        %parallel_loop3A_229 = arith.constant 6 : i32
        %parallel_loop3A_230 = vector.broadcast %parallel_loop3A_229 : i32 to vector<16xi32>
        %parallel_loop3A_231 = tpu.vector_load_idx %arg8[%parallel_loop3A_230, %parallel_loop3A_174] : memref<8x2048xf32, #tpu.memory_space<vmem>>[vector<16xi32>, vector<16xi32>], vector<16xf32>,
        %parallel_loop3A_232 = arith.constant 16 : i32
        %parallel_loop3A_233 = arith.muli %parallel_loop3A_170, %parallel_loop3A_232 : i32
        %parallel_loop3A_234 = arith.constant 6 : i32
        %parallel_loop3A_235 = arith.index_cast %parallel_loop3A_234 : i32 to index
        %parallel_loop3A_236 = arith.index_cast %parallel_loop3A_233 : i32 to index
        %parallel_loop3A_237 = tpu.vector_load %arg12[%parallel_loop3A_235, %parallel_loop3A_236] {strides = array<i32>} : memref<8x2048xf32, #tpu.memory_space<vmem>>, vector<16xf32>,
        tpu.vector_store %arg12[%parallel_loop3A_235, %parallel_loop3A_236], %parallel_loop3A_231 {strides = array<i32>} : memref<8x2048xf32, #tpu.memory_space<vmem>>, vector<16xf32>,
        %parallel_loop3A_238 = arith.constant 7 : i32
        %parallel_loop3A_239 = vector.broadcast %parallel_loop3A_238 : i32 to vector<16xi32>
        %parallel_loop3A_240 = tpu.vector_load_idx %arg8[%parallel_loop3A_239, %parallel_loop3A_174] : memref<8x2048xf32, #tpu.memory_space<vmem>>[vector<16xi32>, vector<16xi32>], vector<16xf32>,
        %parallel_loop3A_241 = arith.constant 16 : i32
        %parallel_loop3A_242 = arith.muli %parallel_loop3A_170, %parallel_loop3A_241 : i32
        %parallel_loop3A_243 = arith.constant 7 : i32
        %parallel_loop3A_244 = arith.index_cast %parallel_loop3A_243 : i32 to index
        %parallel_loop3A_245 = arith.index_cast %parallel_loop3A_242 : i32 to index
        %parallel_loop3A_246 = tpu.vector_load %arg12[%parallel_loop3A_244, %parallel_loop3A_245] {strides = array<i32>} : memref<8x2048xf32, #tpu.memory_space<vmem>>, vector<16xf32>,
        tpu.vector_store %arg12[%parallel_loop3A_244, %parallel_loop3A_245], %parallel_loop3A_240 {strides = array<i32>} : memref<8x2048xf32, #tpu.memory_space<vmem>>, vector<16xf32>,
      } {sc.loop_unroll_factor = 8 : i64, sc.parallel_access}
      %mul3A_61 = arith.constant 8 : i32
      %mul3A_62 = arith.muli %add3A_50, %mul3A_61 : i32
      %add3A_63 = arith.addi %mul3A_2, %mul3A_62 : i32
      %dma_start3A_64 = arith.constant 0 : i32
      %dma_start3A_65 = tpu.memref_slice %arg5[%add3A_63, %dma_start3A_64] : memref<16384x2048xf32, #tpu.memory_space<hbm>> -> memref<8x2048xf32, #tpu.memory_space<hbm>>
      %dma_start3A_66 = arith.constant 0 : i32
      %dma_start3A_67 = tpu.memref_slice %arg5[%add3A_63, %dma_start3A_66] : memref<16384x2048xf32, #tpu.memory_space<hbm>> -> memref<8x2048xf32, #tpu.memory_space<hbm>>
      tpu.enqueue_dma source(%arg12 : memref<8x2048xf32, #tpu.memory_space<vmem>>) target(%dma_start3A_67 : memref<8x2048xf32, #tpu.memory_space<hbm>>) target_semaphore(%arg18 : memref<!tpu.dma_semaphore, #tpu.memory_space<semaphore_mem>>)
      %add3A_68 = arith.constant 4 : i32
      %add3A_69 = arith.addi %add3A_50, %add3A_68 : i32
      %lt3A = arith.constant 64 : i32
      %lt3A_70 = arith.cmpi slt, %add3A_69, %lt3A : i32
      %convert_element_type3A_71 = arith.extui %lt3A_70 : i1 to i32
      %cond3A_72 = arith.constant 0 : i32
      %cond3A_73 = arith.cmpi ne, %convert_element_type3A_71, %cond3A_72 : i32
      scf.if %cond3A_73 {
        %add3A_170 = arith.constant 4 : i32
        %add3A_171 = arith.addi %add3A_50, %add3A_170 : i32
        %dma_start3A_172 = arith.constant 0 : i32
        %dma_start3A_173 = tpu.memref_slice %arg6[%add3A_171, %dma_start3A_172] : memref<64x8xi32, #tpu.memory_space<vmem>> -> memref<1x8xi32, #tpu.memory_space<vmem>>
        %dma_start3A_174 = tpu.memref_squeeze %dma_start3A_173 : memref<1x8xi32, #tpu.memory_space<vmem>> -> memref<8xi32, #tpu.memory_space<vmem>>
        %dma_start3A_175 = arith.constant 0 : i32
        %dma_start3A_176 = arith.constant 0 : i32
        %dma_start3A_177 = tpu.memref_slice %arg2[%dma_start3A_175, %dma_start3A_176] : memref<16384x2048xf32, #tpu.memory_space<hbm>> -> memref<16384x2048xf32, #tpu.memory_space<hbm>>
        tpu.enqueue_indirect_dma source(%dma_start3A_177 : memref<16384x2048xf32, #tpu.memory_space<hbm>>) target(%arg8 : memref<8x2048xf32, #tpu.memory_space<vmem>>) offsets(%dma_start3A_174 : memref<8xi32, #tpu.memory_space<vmem>>) semaphore(%arg14 : memref<!tpu.dma_semaphore, #tpu.memory_space<semaphore_mem>>)
      } else {
      }
      %mul3A_74 = arith.constant 4 : i32
      %mul3A_75 = arith.muli %mul3A_74, %scan3A_46 : i32
      %add3A_76 = arith.constant 1 : i32
      %add3A_77 = arith.addi %mul3A_75, %add3A_76 : i32
      %dma_wait3A_78 = arith.constant 0 : i32
      %dma_wait3A_79 = tpu.memref_slice %arg6[%add3A_77, %dma_wait3A_78] : memref<64x8xi32, #tpu.memory_space<vmem>> -> memref<1x8xi32, #tpu.memory_space<vmem>>
      %dma_wait3A_80 = tpu.memref_squeeze %dma_wait3A_79 : memref<1x8xi32, #tpu.memory_space<vmem>> -> memref<8xi32, #tpu.memory_space<vmem>>
      %dma_wait3A_81 = arith.constant 0 : i32
      %dma_wait3A_82 = arith.constant 0 : i32
      %dma_wait3A_83 = tpu.memref_slice %arg2[%dma_wait3A_81, %dma_wait3A_82] : memref<16384x2048xf32, #tpu.memory_space<hbm>> -> memref<16384x2048xf32, #tpu.memory_space<hbm>>
      tpu.wait_indirect_dma semaphore(%arg15 : memref<!tpu.dma_semaphore, #tpu.memory_space<semaphore_mem>>) src(%dma_wait3A_83 : memref<16384x2048xf32, #tpu.memory_space<hbm>>) dst(%arg9 : memref<8x2048xf32, #tpu.memory_space<vmem>>)
      %ge3A_84 = arith.constant 2 : i32
      %ge3A_85 = arith.cmpi sge, %add3A_77, %ge3A_84 : i32
      %convert_element_type3A_86 = arith.extui %ge3A_85 : i1 to i32
      %cond3A_87 = arith.constant 0 : i32
      %cond3A_88 = arith.cmpi ne, %convert_element_type3A_86, %cond3A_87 : i32
      scf.if %cond3A_88 {
        %sub3A = arith.constant 2 : i32
        %sub3A_170 = arith.subi %add3A_77, %sub3A : i32
        %mul3A_171 = arith.constant 8 : i32
        %mul3A_172 = arith.muli %sub3A_170, %mul3A_171 : i32
        %add3A_173 = arith.addi %mul3A_2, %mul3A_172 : i32
        %dma_wait3A_174 = arith.constant 0 : i32
        %dma_wait3A_175 = tpu.memref_slice %arg5[%add3A_173, %dma_wait3A_174] : memref<16384x2048xf32, #tpu.memory_space<hbm>> -> memref<8x2048xf32, #tpu.memory_space<hbm>>
        %dma_wait3A_176 = arith.constant 0 : i32
        %dma_wait3A_177 = tpu.memref_slice %arg5[%add3A_173, %dma_wait3A_176] : memref<16384x2048xf32, #tpu.memory_space<hbm>> -> memref<8x2048xf32, #tpu.memory_space<hbm>>
        tpu.wait_dma2 semaphore(%arg19 : memref<!tpu.dma_semaphore, #tpu.memory_space<semaphore_mem>>) src(%arg13 : memref<8x2048xf32, #tpu.memory_space<vmem>>) dst(%dma_wait3A_177 : memref<8x2048xf32, #tpu.memory_space<hbm>>)
      } else {
      }
      %parallel_loop3A_89 = arith.constant 0 : i32
      %parallel_loop3A_90 = arith.constant 128 : i32
      %parallel_loop3A_91 = arith.constant 1 : i32
      scf.for %parallel_loop3A_170 = %parallel_loop3A_89 to %parallel_loop3A_90 step %parallel_loop3A_91  : i32 {
        %parallel_loop3A_171 = arith.constant 16 : i32
        %parallel_loop3A_172 = arith.muli %parallel_loop3A_170, %parallel_loop3A_171 : i32
        %parallel_loop3A_173 = arith.index_cast %parallel_loop3A_172 : i32 to index
        %parallel_loop3A_174 = tpu.vector_load %arg7[%parallel_loop3A_173] {strides = array<i32>} : memref<2048xi32, #tpu.memory_space<vmem>>, vector<16xi32>,
        %parallel_loop3A_175 = arith.constant 0 : i32
        %parallel_loop3A_176 = vector.broadcast %parallel_loop3A_175 : i32 to vector<16xi32>
        %parallel_loop3A_177 = tpu.vector_load_idx %arg9[%parallel_loop3A_176, %parallel_loop3A_174] : memref<8x2048xf32, #tpu.memory_space<vmem>>[vector<16xi32>, vector<16xi32>], vector<16xf32>,
        %parallel_loop3A_178 = arith.constant 16 : i32
        %parallel_loop3A_179 = arith.muli %parallel_loop3A_170, %parallel_loop3A_178 : i32
        %parallel_loop3A_180 = arith.constant 0 : i32
        %parallel_loop3A_181 = arith.index_cast %parallel_loop3A_180 : i32 to index
        %parallel_loop3A_182 = arith.index_cast %parallel_loop3A_179 : i32 to index
        %parallel_loop3A_183 = tpu.vector_load %arg13[%parallel_loop3A_181, %parallel_loop3A_182] {strides = array<i32>} : memref<8x2048xf32, #tpu.memory_space<vmem>>, vector<16xf32>,
        tpu.vector_store %arg13[%parallel_loop3A_181, %parallel_loop3A_182], %parallel_loop3A_177 {strides = array<i32>} : memref<8x2048xf32, #tpu.memory_space<vmem>>, vector<16xf32>,
        %parallel_loop3A_184 = arith.constant 1 : i32
        %parallel_loop3A_185 = vector.broadcast %parallel_loop3A_184 : i32 to vector<16xi32>
        %parallel_loop3A_186 = tpu.vector_load_idx %arg9[%parallel_loop3A_185, %parallel_loop3A_174] : memref<8x2048xf32, #tpu.memory_space<vmem>>[vector<16xi32>, vector<16xi32>], vector<16xf32>,
        %parallel_loop3A_187 = arith.constant 16 : i32
        %parallel_loop3A_188 = arith.muli %parallel_loop3A_170, %parallel_loop3A_187 : i32
        %parallel_loop3A_189 = arith.constant 1 : i32
        %parallel_loop3A_190 = arith.index_cast %parallel_loop3A_189 : i32 to index
        %parallel_loop3A_191 = arith.index_cast %parallel_loop3A_188 : i32 to index
        %parallel_loop3A_192 = tpu.vector_load %arg13[%parallel_loop3A_190, %parallel_loop3A_191] {strides = array<i32>} : memref<8x2048xf32, #tpu.memory_space<vmem>>, vector<16xf32>,
        tpu.vector_store %arg13[%parallel_loop3A_190, %parallel_loop3A_191], %parallel_loop3A_186 {strides = array<i32>} : memref<8x2048xf32, #tpu.memory_space<vmem>>, vector<16xf32>,
        %parallel_loop3A_193 = arith.constant 2 : i32
        %parallel_loop3A_194 = vector.broadcast %parallel_loop3A_193 : i32 to vector<16xi32>
        %parallel_loop3A_195 = tpu.vector_load_idx %arg9[%parallel_loop3A_194, %parallel_loop3A_174] : memref<8x2048xf32, #tpu.memory_space<vmem>>[vector<16xi32>, vector<16xi32>], vector<16xf32>,
        %parallel_loop3A_196 = arith.constant 16 : i32
        %parallel_loop3A_197 = arith.muli %parallel_loop3A_170, %parallel_loop3A_196 : i32
        %parallel_loop3A_198 = arith.constant 2 : i32
        %parallel_loop3A_199 = arith.index_cast %parallel_loop3A_198 : i32 to index
        %parallel_loop3A_200 = arith.index_cast %parallel_loop3A_197 : i32 to index
        %parallel_loop3A_201 = tpu.vector_load %arg13[%parallel_loop3A_199, %parallel_loop3A_200] {strides = array<i32>} : memref<8x2048xf32, #tpu.memory_space<vmem>>, vector<16xf32>,
        tpu.vector_store %arg13[%parallel_loop3A_199, %parallel_loop3A_200], %parallel_loop3A_195 {strides = array<i32>} : memref<8x2048xf32, #tpu.memory_space<vmem>>, vector<16xf32>,
        %parallel_loop3A_202 = arith.constant 3 : i32
        %parallel_loop3A_203 = vector.broadcast %parallel_loop3A_202 : i32 to vector<16xi32>
        %parallel_loop3A_204 = tpu.vector_load_idx %arg9[%parallel_loop3A_203, %parallel_loop3A_174] : memref<8x2048xf32, #tpu.memory_space<vmem>>[vector<16xi32>, vector<16xi32>], vector<16xf32>,
        %parallel_loop3A_205 = arith.constant 16 : i32
        %parallel_loop3A_206 = arith.muli %parallel_loop3A_170, %parallel_loop3A_205 : i32
        %parallel_loop3A_207 = arith.constant 3 : i32
        %parallel_loop3A_208 = arith.index_cast %parallel_loop3A_207 : i32 to index
        %parallel_loop3A_209 = arith.index_cast %parallel_loop3A_206 : i32 to index
        %parallel_loop3A_210 = tpu.vector_load %arg13[%parallel_loop3A_208, %parallel_loop3A_209] {strides = array<i32>} : memref<8x2048xf32, #tpu.memory_space<vmem>>, vector<16xf32>,
        tpu.vector_store %arg13[%parallel_loop3A_208, %parallel_loop3A_209], %parallel_loop3A_204 {strides = array<i32>} : memref<8x2048xf32, #tpu.memory_space<vmem>>, vector<16xf32>,
        %parallel_loop3A_211 = arith.constant 4 : i32
        %parallel_loop3A_212 = vector.broadcast %parallel_loop3A_211 : i32 to vector<16xi32>
        %parallel_loop3A_213 = tpu.vector_load_idx %arg9[%parallel_loop3A_212, %parallel_loop3A_174] : memref<8x2048xf32, #tpu.memory_space<vmem>>[vector<16xi32>, vector<16xi32>], vector<16xf32>,
        %parallel_loop3A_214 = arith.constant 16 : i32
        %parallel_loop3A_215 = arith.muli %parallel_loop3A_170, %parallel_loop3A_214 : i32
        %parallel_loop3A_216 = arith.constant 4 : i32
        %parallel_loop3A_217 = arith.index_cast %parallel_loop3A_216 : i32 to index
        %parallel_loop3A_218 = arith.index_cast %parallel_loop3A_215 : i32 to index
        %parallel_loop3A_219 = tpu.vector_load %arg13[%parallel_loop3A_217, %parallel_loop3A_218] {strides = array<i32>} : memref<8x2048xf32, #tpu.memory_space<vmem>>, vector<16xf32>,
        tpu.vector_store %arg13[%parallel_loop3A_217, %parallel_loop3A_218], %parallel_loop3A_213 {strides = array<i32>} : memref<8x2048xf32, #tpu.memory_space<vmem>>, vector<16xf32>,
        %parallel_loop3A_220 = arith.constant 5 : i32
        %parallel_loop3A_221 = vector.broadcast %parallel_loop3A_220 : i32 to vector<16xi32>
        %parallel_loop3A_222 = tpu.vector_load_idx %arg9[%parallel_loop3A_221, %parallel_loop3A_174] : memref<8x2048xf32, #tpu.memory_space<vmem>>[vector<16xi32>, vector<16xi32>], vector<16xf32>,
        %parallel_loop3A_223 = arith.constant 16 : i32
        %parallel_loop3A_224 = arith.muli %parallel_loop3A_170, %parallel_loop3A_223 : i32
        %parallel_loop3A_225 = arith.constant 5 : i32
        %parallel_loop3A_226 = arith.index_cast %parallel_loop3A_225 : i32 to index
        %parallel_loop3A_227 = arith.index_cast %parallel_loop3A_224 : i32 to index
        %parallel_loop3A_228 = tpu.vector_load %arg13[%parallel_loop3A_226, %parallel_loop3A_227] {strides = array<i32>} : memref<8x2048xf32, #tpu.memory_space<vmem>>, vector<16xf32>,
        tpu.vector_store %arg13[%parallel_loop3A_226, %parallel_loop3A_227], %parallel_loop3A_222 {strides = array<i32>} : memref<8x2048xf32, #tpu.memory_space<vmem>>, vector<16xf32>,
        %parallel_loop3A_229 = arith.constant 6 : i32
        %parallel_loop3A_230 = vector.broadcast %parallel_loop3A_229 : i32 to vector<16xi32>
        %parallel_loop3A_231 = tpu.vector_load_idx %arg9[%parallel_loop3A_230, %parallel_loop3A_174] : memref<8x2048xf32, #tpu.memory_space<vmem>>[vector<16xi32>, vector<16xi32>], vector<16xf32>,
        %parallel_loop3A_232 = arith.constant 16 : i32
        %parallel_loop3A_233 = arith.muli %parallel_loop3A_170, %parallel_loop3A_232 : i32
        %parallel_loop3A_234 = arith.constant 6 : i32
        %parallel_loop3A_235 = arith.index_cast %parallel_loop3A_234 : i32 to index
        %parallel_loop3A_236 = arith.index_cast %parallel_loop3A_233 : i32 to index
        %parallel_loop3A_237 = tpu.vector_load %arg13[%parallel_loop3A_235, %parallel_loop3A_236] {strides = array<i32>} : memref<8x2048xf32, #tpu.memory_space<vmem>>, vector<16xf32>,
        tpu.vector_store %arg13[%parallel_loop3A_235, %parallel_loop3A_236], %parallel_loop3A_231 {strides = array<i32>} : memref<8x2048xf32, #tpu.memory_space<vmem>>, vector<16xf32>,
        %parallel_loop3A_238 = arith.constant 7 : i32
        %parallel_loop3A_239 = vector.broadcast %parallel_loop3A_238 : i32 to vector<16xi32>
        %parallel_loop3A_240 = tpu.vector_load_idx %arg9[%parallel_loop3A_239, %parallel_loop3A_174] : memref<8x2048xf32, #tpu.memory_space<vmem>>[vector<16xi32>, vector<16xi32>], vector<16xf32>,
        %parallel_loop3A_241 = arith.constant 16 : i32
        %parallel_loop3A_242 = arith.muli %parallel_loop3A_170, %parallel_loop3A_241 : i32
        %parallel_loop3A_243 = arith.constant 7 : i32
        %parallel_loop3A_244 = arith.index_cast %parallel_loop3A_243 : i32 to index
        %parallel_loop3A_245 = arith.index_cast %parallel_loop3A_242 : i32 to index
        %parallel_loop3A_246 = tpu.vector_load %arg13[%parallel_loop3A_244, %parallel_loop3A_245] {strides = array<i32>} : memref<8x2048xf32, #tpu.memory_space<vmem>>, vector<16xf32>,
        tpu.vector_store %arg13[%parallel_loop3A_244, %parallel_loop3A_245], %parallel_loop3A_240 {strides = array<i32>} : memref<8x2048xf32, #tpu.memory_space<vmem>>, vector<16xf32>,
      } {sc.loop_unroll_factor = 8 : i64, sc.parallel_access}
      %mul3A_92 = arith.constant 8 : i32
      %mul3A_93 = arith.muli %add3A_77, %mul3A_92 : i32
      %add3A_94 = arith.addi %mul3A_2, %mul3A_93 : i32
      %dma_start3A_95 = arith.constant 0 : i32
      %dma_start3A_96 = tpu.memref_slice %arg5[%add3A_94, %dma_start3A_95] : memref<16384x2048xf32, #tpu.memory_space<hbm>> -> memref<8x2048xf32, #tpu.memory_space<hbm>>
      %dma_start3A_97 = arith.constant 0 : i32
      %dma_start3A_98 = tpu.memref_slice %arg5[%add3A_94, %dma_start3A_97] : memref<16384x2048xf32, #tpu.memory_space<hbm>> -> memref<8x2048xf32, #tpu.memory_space<hbm>>
      tpu.enqueue_dma source(%arg13 : memref<8x2048xf32, #tpu.memory_space<vmem>>) target(%dma_start3A_98 : memref<8x2048xf32, #tpu.memory_space<hbm>>) target_semaphore(%arg19 : memref<!tpu.dma_semaphore, #tpu.memory_space<semaphore_mem>>)
      %add3A_99 = arith.constant 4 : i32
      %add3A_100 = arith.addi %add3A_77, %add3A_99 : i32
      %lt3A_101 = arith.constant 64 : i32
      %lt3A_102 = arith.cmpi slt, %add3A_100, %lt3A_101 : i32
      %convert_element_type3A_103 = arith.extui %lt3A_102 : i1 to i32
      %cond3A_104 = arith.constant 0 : i32
      %cond3A_105 = arith.cmpi ne, %convert_element_type3A_103, %cond3A_104 : i32
      scf.if %cond3A_105 {
        %add3A_170 = arith.constant 4 : i32
        %add3A_171 = arith.addi %add3A_77, %add3A_170 : i32
        %dma_start3A_172 = arith.constant 0 : i32
        %dma_start3A_173 = tpu.memref_slice %arg6[%add3A_171, %dma_start3A_172] : memref<64x8xi32, #tpu.memory_space<vmem>> -> memref<1x8xi32, #tpu.memory_space<vmem>>
        %dma_start3A_174 = tpu.memref_squeeze %dma_start3A_173 : memref<1x8xi32, #tpu.memory_space<vmem>> -> memref<8xi32, #tpu.memory_space<vmem>>
        %dma_start3A_175 = arith.constant 0 : i32
        %dma_start3A_176 = arith.constant 0 : i32
        %dma_start3A_177 = tpu.memref_slice %arg2[%dma_start3A_175, %dma_start3A_176] : memref<16384x2048xf32, #tpu.memory_space<hbm>> -> memref<16384x2048xf32, #tpu.memory_space<hbm>>
        tpu.enqueue_indirect_dma source(%dma_start3A_177 : memref<16384x2048xf32, #tpu.memory_space<hbm>>) target(%arg9 : memref<8x2048xf32, #tpu.memory_space<vmem>>) offsets(%dma_start3A_174 : memref<8xi32, #tpu.memory_space<vmem>>) semaphore(%arg15 : memref<!tpu.dma_semaphore, #tpu.memory_space<semaphore_mem>>)
      } else {
      }
      %mul3A_106 = arith.constant 4 : i32
      %mul3A_107 = arith.muli %mul3A_106, %scan3A_46 : i32
      %add3A_108 = arith.constant 2 : i32
      %add3A_109 = arith.addi %mul3A_107, %add3A_108 : i32
      %dma_wait3A_110 = arith.constant 0 : i32
      %dma_wait3A_111 = tpu.memref_slice %arg6[%add3A_109, %dma_wait3A_110] : memref<64x8xi32, #tpu.memory_space<vmem>> -> memref<1x8xi32, #tpu.memory_space<vmem>>
      %dma_wait3A_112 = tpu.memref_squeeze %dma_wait3A_111 : memref<1x8xi32, #tpu.memory_space<vmem>> -> memref<8xi32, #tpu.memory_space<vmem>>
      %dma_wait3A_113 = arith.constant 0 : i32
      %dma_wait3A_114 = arith.constant 0 : i32
      %dma_wait3A_115 = tpu.memref_slice %arg2[%dma_wait3A_113, %dma_wait3A_114] : memref<16384x2048xf32, #tpu.memory_space<hbm>> -> memref<16384x2048xf32, #tpu.memory_space<hbm>>
      tpu.wait_indirect_dma semaphore(%arg16 : memref<!tpu.dma_semaphore, #tpu.memory_space<semaphore_mem>>) src(%dma_wait3A_115 : memref<16384x2048xf32, #tpu.memory_space<hbm>>) dst(%arg10 : memref<8x2048xf32, #tpu.memory_space<vmem>>)
      %ge3A_116 = arith.constant 2 : i32
      %ge3A_117 = arith.cmpi sge, %add3A_109, %ge3A_116 : i32
      %convert_element_type3A_118 = arith.extui %ge3A_117 : i1 to i32
      %cond3A_119 = arith.constant 0 : i32
      %cond3A_120 = arith.cmpi ne, %convert_element_type3A_118, %cond3A_119 : i32
      scf.if %cond3A_120 {
        %sub3A = arith.constant 2 : i32
        %sub3A_170 = arith.subi %add3A_109, %sub3A : i32
        %mul3A_171 = arith.constant 8 : i32
        %mul3A_172 = arith.muli %sub3A_170, %mul3A_171 : i32
        %add3A_173 = arith.addi %mul3A_2, %mul3A_172 : i32
        %dma_wait3A_174 = arith.constant 0 : i32
        %dma_wait3A_175 = tpu.memref_slice %arg5[%add3A_173, %dma_wait3A_174] : memref<16384x2048xf32, #tpu.memory_space<hbm>> -> memref<8x2048xf32, #tpu.memory_space<hbm>>
        %dma_wait3A_176 = arith.constant 0 : i32
        %dma_wait3A_177 = tpu.memref_slice %arg5[%add3A_173, %dma_wait3A_176] : memref<16384x2048xf32, #tpu.memory_space<hbm>> -> memref<8x2048xf32, #tpu.memory_space<hbm>>
        tpu.wait_dma2 semaphore(%arg18 : memref<!tpu.dma_semaphore, #tpu.memory_space<semaphore_mem>>) src(%arg12 : memref<8x2048xf32, #tpu.memory_space<vmem>>) dst(%dma_wait3A_177 : memref<8x2048xf32, #tpu.memory_space<hbm>>)
      } else {
      }
      %parallel_loop3A_121 = arith.constant 0 : i32
      %parallel_loop3A_122 = arith.constant 128 : i32
      %parallel_loop3A_123 = arith.constant 1 : i32
      scf.for %parallel_loop3A_170 = %parallel_loop3A_121 to %parallel_loop3A_122 step %parallel_loop3A_123  : i32 {
        %parallel_loop3A_171 = arith.constant 16 : i32
        %parallel_loop3A_172 = arith.muli %parallel_loop3A_170, %parallel_loop3A_171 : i32
        %parallel_loop3A_173 = arith.index_cast %parallel_loop3A_172 : i32 to index
        %parallel_loop3A_174 = tpu.vector_load %arg7[%parallel_loop3A_173] {strides = array<i32>} : memref<2048xi32, #tpu.memory_space<vmem>>, vector<16xi32>,
        %parallel_loop3A_175 = arith.constant 0 : i32
        %parallel_loop3A_176 = vector.broadcast %parallel_loop3A_175 : i32 to vector<16xi32>
        %parallel_loop3A_177 = tpu.vector_load_idx %arg10[%parallel_loop3A_176, %parallel_loop3A_174] : memref<8x2048xf32, #tpu.memory_space<vmem>>[vector<16xi32>, vector<16xi32>], vector<16xf32>,
        %parallel_loop3A_178 = arith.constant 16 : i32
        %parallel_loop3A_179 = arith.muli %parallel_loop3A_170, %parallel_loop3A_178 : i32
        %parallel_loop3A_180 = arith.constant 0 : i32
        %parallel_loop3A_181 = arith.index_cast %parallel_loop3A_180 : i32 to index
        %parallel_loop3A_182 = arith.index_cast %parallel_loop3A_179 : i32 to index
        %parallel_loop3A_183 = tpu.vector_load %arg12[%parallel_loop3A_181, %parallel_loop3A_182] {strides = array<i32>} : memref<8x2048xf32, #tpu.memory_space<vmem>>, vector<16xf32>,
        tpu.vector_store %arg12[%parallel_loop3A_181, %parallel_loop3A_182], %parallel_loop3A_177 {strides = array<i32>} : memref<8x2048xf32, #tpu.memory_space<vmem>>, vector<16xf32>,
        %parallel_loop3A_184 = arith.constant 1 : i32
        %parallel_loop3A_185 = vector.broadcast %parallel_loop3A_184 : i32 to vector<16xi32>
        %parallel_loop3A_186 = tpu.vector_load_idx %arg10[%parallel_loop3A_185, %parallel_loop3A_174] : memref<8x2048xf32, #tpu.memory_space<vmem>>[vector<16xi32>, vector<16xi32>], vector<16xf32>,
        %parallel_loop3A_187 = arith.constant 16 : i32
        %parallel_loop3A_188 = arith.muli %parallel_loop3A_170, %parallel_loop3A_187 : i32
        %parallel_loop3A_189 = arith.constant 1 : i32
        %parallel_loop3A_190 = arith.index_cast %parallel_loop3A_189 : i32 to index
        %parallel_loop3A_191 = arith.index_cast %parallel_loop3A_188 : i32 to index
        %parallel_loop3A_192 = tpu.vector_load %arg12[%parallel_loop3A_190, %parallel_loop3A_191] {strides = array<i32>} : memref<8x2048xf32, #tpu.memory_space<vmem>>, vector<16xf32>,
        tpu.vector_store %arg12[%parallel_loop3A_190, %parallel_loop3A_191], %parallel_loop3A_186 {strides = array<i32>} : memref<8x2048xf32, #tpu.memory_space<vmem>>, vector<16xf32>,
        %parallel_loop3A_193 = arith.constant 2 : i32
        %parallel_loop3A_194 = vector.broadcast %parallel_loop3A_193 : i32 to vector<16xi32>
        %parallel_loop3A_195 = tpu.vector_load_idx %arg10[%parallel_loop3A_194, %parallel_loop3A_174] : memref<8x2048xf32, #tpu.memory_space<vmem>>[vector<16xi32>, vector<16xi32>], vector<16xf32>,
        %parallel_loop3A_196 = arith.constant 16 : i32
        %parallel_loop3A_197 = arith.muli %parallel_loop3A_170, %parallel_loop3A_196 : i32
        %parallel_loop3A_198 = arith.constant 2 : i32
        %parallel_loop3A_199 = arith.index_cast %parallel_loop3A_198 : i32 to index
        %parallel_loop3A_200 = arith.index_cast %parallel_loop3A_197 : i32 to index
        %parallel_loop3A_201 = tpu.vector_load %arg12[%parallel_loop3A_199, %parallel_loop3A_200] {strides = array<i32>} : memref<8x2048xf32, #tpu.memory_space<vmem>>, vector<16xf32>,
        tpu.vector_store %arg12[%parallel_loop3A_199, %parallel_loop3A_200], %parallel_loop3A_195 {strides = array<i32>} : memref<8x2048xf32, #tpu.memory_space<vmem>>, vector<16xf32>,
        %parallel_loop3A_202 = arith.constant 3 : i32
        %parallel_loop3A_203 = vector.broadcast %parallel_loop3A_202 : i32 to vector<16xi32>
        %parallel_loop3A_204 = tpu.vector_load_idx %arg10[%parallel_loop3A_203, %parallel_loop3A_174] : memref<8x2048xf32, #tpu.memory_space<vmem>>[vector<16xi32>, vector<16xi32>], vector<16xf32>,
        %parallel_loop3A_205 = arith.constant 16 : i32
        %parallel_loop3A_206 = arith.muli %parallel_loop3A_170, %parallel_loop3A_205 : i32
        %parallel_loop3A_207 = arith.constant 3 : i32
        %parallel_loop3A_208 = arith.index_cast %parallel_loop3A_207 : i32 to index
        %parallel_loop3A_209 = arith.index_cast %parallel_loop3A_206 : i32 to index
        %parallel_loop3A_210 = tpu.vector_load %arg12[%parallel_loop3A_208, %parallel_loop3A_209] {strides = array<i32>} : memref<8x2048xf32, #tpu.memory_space<vmem>>, vector<16xf32>,
        tpu.vector_store %arg12[%parallel_loop3A_208, %parallel_loop3A_209], %parallel_loop3A_204 {strides = array<i32>} : memref<8x2048xf32, #tpu.memory_space<vmem>>, vector<16xf32>,
        %parallel_loop3A_211 = arith.constant 4 : i32
        %parallel_loop3A_212 = vector.broadcast %parallel_loop3A_211 : i32 to vector<16xi32>
        %parallel_loop3A_213 = tpu.vector_load_idx %arg10[%parallel_loop3A_212, %parallel_loop3A_174] : memref<8x2048xf32, #tpu.memory_space<vmem>>[vector<16xi32>, vector<16xi32>], vector<16xf32>,
        %parallel_loop3A_214 = arith.constant 16 : i32
        %parallel_loop3A_215 = arith.muli %parallel_loop3A_170, %parallel_loop3A_214 : i32
        %parallel_loop3A_216 = arith.constant 4 : i32
        %parallel_loop3A_217 = arith.index_cast %parallel_loop3A_216 : i32 to index
        %parallel_loop3A_218 = arith.index_cast %parallel_loop3A_215 : i32 to index
        %parallel_loop3A_219 = tpu.vector_load %arg12[%parallel_loop3A_217, %parallel_loop3A_218] {strides = array<i32>} : memref<8x2048xf32, #tpu.memory_space<vmem>>, vector<16xf32>,
        tpu.vector_store %arg12[%parallel_loop3A_217, %parallel_loop3A_218], %parallel_loop3A_213 {strides = array<i32>} : memref<8x2048xf32, #tpu.memory_space<vmem>>, vector<16xf32>,
        %parallel_loop3A_220 = arith.constant 5 : i32
        %parallel_loop3A_221 = vector.broadcast %parallel_loop3A_220 : i32 to vector<16xi32>
        %parallel_loop3A_222 = tpu.vector_load_idx %arg10[%parallel_loop3A_221, %parallel_loop3A_174] : memref<8x2048xf32, #tpu.memory_space<vmem>>[vector<16xi32>, vector<16xi32>], vector<16xf32>,
        %parallel_loop3A_223 = arith.constant 16 : i32
        %parallel_loop3A_224 = arith.muli %parallel_loop3A_170, %parallel_loop3A_223 : i32
        %parallel_loop3A_225 = arith.constant 5 : i32
        %parallel_loop3A_226 = arith.index_cast %parallel_loop3A_225 : i32 to index
        %parallel_loop3A_227 = arith.index_cast %parallel_loop3A_224 : i32 to index
        %parallel_loop3A_228 = tpu.vector_load %arg12[%parallel_loop3A_226, %parallel_loop3A_227] {strides = array<i32>} : memref<8x2048xf32, #tpu.memory_space<vmem>>, vector<16xf32>,
        tpu.vector_store %arg12[%parallel_loop3A_226, %parallel_loop3A_227], %parallel_loop3A_222 {strides = array<i32>} : memref<8x2048xf32, #tpu.memory_space<vmem>>, vector<16xf32>,
        %parallel_loop3A_229 = arith.constant 6 : i32
        %parallel_loop3A_230 = vector.broadcast %parallel_loop3A_229 : i32 to vector<16xi32>
        %parallel_loop3A_231 = tpu.vector_load_idx %arg10[%parallel_loop3A_230, %parallel_loop3A_174] : memref<8x2048xf32, #tpu.memory_space<vmem>>[vector<16xi32>, vector<16xi32>], vector<16xf32>,
        %parallel_loop3A_232 = arith.constant 16 : i32
        %parallel_loop3A_233 = arith.muli %parallel_loop3A_170, %parallel_loop3A_232 : i32
        %parallel_loop3A_234 = arith.constant 6 : i32
        %parallel_loop3A_235 = arith.index_cast %parallel_loop3A_234 : i32 to index
        %parallel_loop3A_236 = arith.index_cast %parallel_loop3A_233 : i32 to index
        %parallel_loop3A_237 = tpu.vector_load %arg12[%parallel_loop3A_235, %parallel_loop3A_236] {strides = array<i32>} : memref<8x2048xf32, #tpu.memory_space<vmem>>, vector<16xf32>,
        tpu.vector_store %arg12[%parallel_loop3A_235, %parallel_loop3A_236], %parallel_loop3A_231 {strides = array<i32>} : memref<8x2048xf32, #tpu.memory_space<vmem>>, vector<16xf32>,
        %parallel_loop3A_238 = arith.constant 7 : i32
        %parallel_loop3A_239 = vector.broadcast %parallel_loop3A_238 : i32 to vector<16xi32>
        %parallel_loop3A_240 = tpu.vector_load_idx %arg10[%parallel_loop3A_239, %parallel_loop3A_174] : memref<8x2048xf32, #tpu.memory_space<vmem>>[vector<16xi32>, vector<16xi32>], vector<16xf32>,
        %parallel_loop3A_241 = arith.constant 16 : i32
        %parallel_loop3A_242 = arith.muli %parallel_loop3A_170, %parallel_loop3A_241 : i32
        %parallel_loop3A_243 = arith.constant 7 : i32
        %parallel_loop3A_244 = arith.index_cast %parallel_loop3A_243 : i32 to index
        %parallel_loop3A_245 = arith.index_cast %parallel_loop3A_242 : i32 to index
        %parallel_loop3A_246 = tpu.vector_load %arg12[%parallel_loop3A_244, %parallel_loop3A_245] {strides = array<i32>} : memref<8x2048xf32, #tpu.memory_space<vmem>>, vector<16xf32>,
        tpu.vector_store %arg12[%parallel_loop3A_244, %parallel_loop3A_245], %parallel_loop3A_240 {strides = array<i32>} : memref<8x2048xf32, #tpu.memory_space<vmem>>, vector<16xf32>,
      } {sc.loop_unroll_factor = 8 : i64, sc.parallel_access}
      %mul3A_124 = arith.constant 8 : i32
      %mul3A_125 = arith.muli %add3A_109, %mul3A_124 : i32
      %add3A_126 = arith.addi %mul3A_2, %mul3A_125 : i32
      %dma_start3A_127 = arith.constant 0 : i32
      %dma_start3A_128 = tpu.memref_slice %arg5[%add3A_126, %dma_start3A_127] : memref<16384x2048xf32, #tpu.memory_space<hbm>> -> memref<8x2048xf32, #tpu.memory_space<hbm>>
      %dma_start3A_129 = arith.constant 0 : i32
      %dma_start3A_130 = tpu.memref_slice %arg5[%add3A_126, %dma_start3A_129] : memref<16384x2048xf32, #tpu.memory_space<hbm>> -> memref<8x2048xf32, #tpu.memory_space<hbm>>
      tpu.enqueue_dma source(%arg12 : memref<8x2048xf32, #tpu.memory_space<vmem>>) target(%dma_start3A_130 : memref<8x2048xf32, #tpu.memory_space<hbm>>) target_semaphore(%arg18 : memref<!tpu.dma_semaphore, #tpu.memory_space<semaphore_mem>>)
      %add3A_131 = arith.constant 4 : i32
      %add3A_132 = arith.addi %add3A_109, %add3A_131 : i32
      %lt3A_133 = arith.constant 64 : i32
      %lt3A_134 = arith.cmpi slt, %add3A_132, %lt3A_133 : i32
      %convert_element_type3A_135 = arith.extui %lt3A_134 : i1 to i32
      %cond3A_136 = arith.constant 0 : i32
      %cond3A_137 = arith.cmpi ne, %convert_element_type3A_135, %cond3A_136 : i32
      scf.if %cond3A_137 {
        %add3A_170 = arith.constant 4 : i32
        %add3A_171 = arith.addi %add3A_109, %add3A_170 : i32
        %dma_start3A_172 = arith.constant 0 : i32
        %dma_start3A_173 = tpu.memref_slice %arg6[%add3A_171, %dma_start3A_172] : memref<64x8xi32, #tpu.memory_space<vmem>> -> memref<1x8xi32, #tpu.memory_space<vmem>>
        %dma_start3A_174 = tpu.memref_squeeze %dma_start3A_173 : memref<1x8xi32, #tpu.memory_space<vmem>> -> memref<8xi32, #tpu.memory_space<vmem>>
        %dma_start3A_175 = arith.constant 0 : i32
        %dma_start3A_176 = arith.constant 0 : i32
        %dma_start3A_177 = tpu.memref_slice %arg2[%dma_start3A_175, %dma_start3A_176] : memref<16384x2048xf32, #tpu.memory_space<hbm>> -> memref<16384x2048xf32, #tpu.memory_space<hbm>>
        tpu.enqueue_indirect_dma source(%dma_start3A_177 : memref<16384x2048xf32, #tpu.memory_space<hbm>>) target(%arg10 : memref<8x2048xf32, #tpu.memory_space<vmem>>) offsets(%dma_start3A_174 : memref<8xi32, #tpu.memory_space<vmem>>) semaphore(%arg16 : memref<!tpu.dma_semaphore, #tpu.memory_space<semaphore_mem>>)
      } else {
      }
      %mul3A_138 = arith.constant 4 : i32
      %mul3A_139 = arith.muli %mul3A_138, %scan3A_46 : i32
      %add3A_140 = arith.constant 3 : i32
      %add3A_141 = arith.addi %mul3A_139, %add3A_140 : i32
      %dma_wait3A_142 = arith.constant 0 : i32
      %dma_wait3A_143 = tpu.memref_slice %arg6[%add3A_141, %dma_wait3A_142] : memref<64x8xi32, #tpu.memory_space<vmem>> -> memref<1x8xi32, #tpu.memory_space<vmem>>
      %dma_wait3A_144 = tpu.memref_squeeze %dma_wait3A_143 : memref<1x8xi32, #tpu.memory_space<vmem>> -> memref<8xi32, #tpu.memory_space<vmem>>
      %dma_wait3A_145 = arith.constant 0 : i32
      %dma_wait3A_146 = arith.constant 0 : i32
      %dma_wait3A_147 = tpu.memref_slice %arg2[%dma_wait3A_145, %dma_wait3A_146] : memref<16384x2048xf32, #tpu.memory_space<hbm>> -> memref<16384x2048xf32, #tpu.memory_space<hbm>>
      tpu.wait_indirect_dma semaphore(%arg17 : memref<!tpu.dma_semaphore, #tpu.memory_space<semaphore_mem>>) src(%dma_wait3A_147 : memref<16384x2048xf32, #tpu.memory_space<hbm>>) dst(%arg11 : memref<8x2048xf32, #tpu.memory_space<vmem>>)
      %ge3A_148 = arith.constant 2 : i32
      %ge3A_149 = arith.cmpi sge, %add3A_141, %ge3A_148 : i32
      %convert_element_type3A_150 = arith.extui %ge3A_149 : i1 to i32
      %cond3A_151 = arith.constant 0 : i32
      %cond3A_152 = arith.cmpi ne, %convert_element_type3A_150, %cond3A_151 : i32
      scf.if %cond3A_152 {
        %sub3A = arith.constant 2 : i32
        %sub3A_170 = arith.subi %add3A_141, %sub3A : i32
        %mul3A_171 = arith.constant 8 : i32
        %mul3A_172 = arith.muli %sub3A_170, %mul3A_171 : i32
        %add3A_173 = arith.addi %mul3A_2, %mul3A_172 : i32
        %dma_wait3A_174 = arith.constant 0 : i32
        %dma_wait3A_175 = tpu.memref_slice %arg5[%add3A_173, %dma_wait3A_174] : memref<16384x2048xf32, #tpu.memory_space<hbm>> -> memref<8x2048xf32, #tpu.memory_space<hbm>>
        %dma_wait3A_176 = arith.constant 0 : i32
        %dma_wait3A_177 = tpu.memref_slice %arg5[%add3A_173, %dma_wait3A_176] : memref<16384x2048xf32, #tpu.memory_space<hbm>> -> memref<8x2048xf32, #tpu.memory_space<hbm>>
        tpu.wait_dma2 semaphore(%arg19 : memref<!tpu.dma_semaphore, #tpu.memory_space<semaphore_mem>>) src(%arg13 : memref<8x2048xf32, #tpu.memory_space<vmem>>) dst(%dma_wait3A_177 : memref<8x2048xf32, #tpu.memory_space<hbm>>)
      } else {
      }
      %parallel_loop3A_153 = arith.constant 0 : i32
      %parallel_loop3A_154 = arith.constant 128 : i32
      %parallel_loop3A_155 = arith.constant 1 : i32
      scf.for %parallel_loop3A_170 = %parallel_loop3A_153 to %parallel_loop3A_154 step %parallel_loop3A_155  : i32 {
        %parallel_loop3A_171 = arith.constant 16 : i32
        %parallel_loop3A_172 = arith.muli %parallel_loop3A_170, %parallel_loop3A_171 : i32
        %parallel_loop3A_173 = arith.index_cast %parallel_loop3A_172 : i32 to index
        %parallel_loop3A_174 = tpu.vector_load %arg7[%parallel_loop3A_173] {strides = array<i32>} : memref<2048xi32, #tpu.memory_space<vmem>>, vector<16xi32>,
        %parallel_loop3A_175 = arith.constant 0 : i32
        %parallel_loop3A_176 = vector.broadcast %parallel_loop3A_175 : i32 to vector<16xi32>
        %parallel_loop3A_177 = tpu.vector_load_idx %arg11[%parallel_loop3A_176, %parallel_loop3A_174] : memref<8x2048xf32, #tpu.memory_space<vmem>>[vector<16xi32>, vector<16xi32>], vector<16xf32>,
        %parallel_loop3A_178 = arith.constant 16 : i32
        %parallel_loop3A_179 = arith.muli %parallel_loop3A_170, %parallel_loop3A_178 : i32
        %parallel_loop3A_180 = arith.constant 0 : i32
        %parallel_loop3A_181 = arith.index_cast %parallel_loop3A_180 : i32 to index
        %parallel_loop3A_182 = arith.index_cast %parallel_loop3A_179 : i32 to index
        %parallel_loop3A_183 = tpu.vector_load %arg13[%parallel_loop3A_181, %parallel_loop3A_182] {strides = array<i32>} : memref<8x2048xf32, #tpu.memory_space<vmem>>, vector<16xf32>,
        tpu.vector_store %arg13[%parallel_loop3A_181, %parallel_loop3A_182], %parallel_loop3A_177 {strides = array<i32>} : memref<8x2048xf32, #tpu.memory_space<vmem>>, vector<16xf32>,
        %parallel_loop3A_184 = arith.constant 1 : i32
        %parallel_loop3A_185 = vector.broadcast %parallel_loop3A_184 : i32 to vector<16xi32>
        %parallel_loop3A_186 = tpu.vector_load_idx %arg11[%parallel_loop3A_185, %parallel_loop3A_174] : memref<8x2048xf32, #tpu.memory_space<vmem>>[vector<16xi32>, vector<16xi32>], vector<16xf32>,
        %parallel_loop3A_187 = arith.constant 16 : i32
        %parallel_loop3A_188 = arith.muli %parallel_loop3A_170, %parallel_loop3A_187 : i32
        %parallel_loop3A_189 = arith.constant 1 : i32
        %parallel_loop3A_190 = arith.index_cast %parallel_loop3A_189 : i32 to index
        %parallel_loop3A_191 = arith.index_cast %parallel_loop3A_188 : i32 to index
        %parallel_loop3A_192 = tpu.vector_load %arg13[%parallel_loop3A_190, %parallel_loop3A_191] {strides = array<i32>} : memref<8x2048xf32, #tpu.memory_space<vmem>>, vector<16xf32>,
        tpu.vector_store %arg13[%parallel_loop3A_190, %parallel_loop3A_191], %parallel_loop3A_186 {strides = array<i32>} : memref<8x2048xf32, #tpu.memory_space<vmem>>, vector<16xf32>,
        %parallel_loop3A_193 = arith.constant 2 : i32
        %parallel_loop3A_194 = vector.broadcast %parallel_loop3A_193 : i32 to vector<16xi32>
        %parallel_loop3A_195 = tpu.vector_load_idx %arg11[%parallel_loop3A_194, %parallel_loop3A_174] : memref<8x2048xf32, #tpu.memory_space<vmem>>[vector<16xi32>, vector<16xi32>], vector<16xf32>,
        %parallel_loop3A_196 = arith.constant 16 : i32
        %parallel_loop3A_197 = arith.muli %parallel_loop3A_170, %parallel_loop3A_196 : i32
        %parallel_loop3A_198 = arith.constant 2 : i32
        %parallel_loop3A_199 = arith.index_cast %parallel_loop3A_198 : i32 to index
        %parallel_loop3A_200 = arith.index_cast %parallel_loop3A_197 : i32 to index
        %parallel_loop3A_201 = tpu.vector_load %arg13[%parallel_loop3A_199, %parallel_loop3A_200] {strides = array<i32>} : memref<8x2048xf32, #tpu.memory_space<vmem>>, vector<16xf32>,
        tpu.vector_store %arg13[%parallel_loop3A_199, %parallel_loop3A_200], %parallel_loop3A_195 {strides = array<i32>} : memref<8x2048xf32, #tpu.memory_space<vmem>>, vector<16xf32>,
        %parallel_loop3A_202 = arith.constant 3 : i32
        %parallel_loop3A_203 = vector.broadcast %parallel_loop3A_202 : i32 to vector<16xi32>
        %parallel_loop3A_204 = tpu.vector_load_idx %arg11[%parallel_loop3A_203, %parallel_loop3A_174] : memref<8x2048xf32, #tpu.memory_space<vmem>>[vector<16xi32>, vector<16xi32>], vector<16xf32>,
        %parallel_loop3A_205 = arith.constant 16 : i32
        %parallel_loop3A_206 = arith.muli %parallel_loop3A_170, %parallel_loop3A_205 : i32
        %parallel_loop3A_207 = arith.constant 3 : i32
        %parallel_loop3A_208 = arith.index_cast %parallel_loop3A_207 : i32 to index
        %parallel_loop3A_209 = arith.index_cast %parallel_loop3A_206 : i32 to index
        %parallel_loop3A_210 = tpu.vector_load %arg13[%parallel_loop3A_208, %parallel_loop3A_209] {strides = array<i32>} : memref<8x2048xf32, #tpu.memory_space<vmem>>, vector<16xf32>,
        tpu.vector_store %arg13[%parallel_loop3A_208, %parallel_loop3A_209], %parallel_loop3A_204 {strides = array<i32>} : memref<8x2048xf32, #tpu.memory_space<vmem>>, vector<16xf32>,
        %parallel_loop3A_211 = arith.constant 4 : i32
        %parallel_loop3A_212 = vector.broadcast %parallel_loop3A_211 : i32 to vector<16xi32>
        %parallel_loop3A_213 = tpu.vector_load_idx %arg11[%parallel_loop3A_212, %parallel_loop3A_174] : memref<8x2048xf32, #tpu.memory_space<vmem>>[vector<16xi32>, vector<16xi32>], vector<16xf32>,
        %parallel_loop3A_214 = arith.constant 16 : i32
        %parallel_loop3A_215 = arith.muli %parallel_loop3A_170, %parallel_loop3A_214 : i32
        %parallel_loop3A_216 = arith.constant 4 : i32
        %parallel_loop3A_217 = arith.index_cast %parallel_loop3A_216 : i32 to index
        %parallel_loop3A_218 = arith.index_cast %parallel_loop3A_215 : i32 to index
        %parallel_loop3A_219 = tpu.vector_load %arg13[%parallel_loop3A_217, %parallel_loop3A_218] {strides = array<i32>} : memref<8x2048xf32, #tpu.memory_space<vmem>>, vector<16xf32>,
        tpu.vector_store %arg13[%parallel_loop3A_217, %parallel_loop3A_218], %parallel_loop3A_213 {strides = array<i32>} : memref<8x2048xf32, #tpu.memory_space<vmem>>, vector<16xf32>,
        %parallel_loop3A_220 = arith.constant 5 : i32
        %parallel_loop3A_221 = vector.broadcast %parallel_loop3A_220 : i32 to vector<16xi32>
        %parallel_loop3A_222 = tpu.vector_load_idx %arg11[%parallel_loop3A_221, %parallel_loop3A_174] : memref<8x2048xf32, #tpu.memory_space<vmem>>[vector<16xi32>, vector<16xi32>], vector<16xf32>,
        %parallel_loop3A_223 = arith.constant 16 : i32
        %parallel_loop3A_224 = arith.muli %parallel_loop3A_170, %parallel_loop3A_223 : i32
        %parallel_loop3A_225 = arith.constant 5 : i32
        %parallel_loop3A_226 = arith.index_cast %parallel_loop3A_225 : i32 to index
        %parallel_loop3A_227 = arith.index_cast %parallel_loop3A_224 : i32 to index
        %parallel_loop3A_228 = tpu.vector_load %arg13[%parallel_loop3A_226, %parallel_loop3A_227] {strides = array<i32>} : memref<8x2048xf32, #tpu.memory_space<vmem>>, vector<16xf32>,
        tpu.vector_store %arg13[%parallel_loop3A_226, %parallel_loop3A_227], %parallel_loop3A_222 {strides = array<i32>} : memref<8x2048xf32, #tpu.memory_space<vmem>>, vector<16xf32>,
        %parallel_loop3A_229 = arith.constant 6 : i32
        %parallel_loop3A_230 = vector.broadcast %parallel_loop3A_229 : i32 to vector<16xi32>
        %parallel_loop3A_231 = tpu.vector_load_idx %arg11[%parallel_loop3A_230, %parallel_loop3A_174] : memref<8x2048xf32, #tpu.memory_space<vmem>>[vector<16xi32>, vector<16xi32>], vector<16xf32>,
        %parallel_loop3A_232 = arith.constant 16 : i32
        %parallel_loop3A_233 = arith.muli %parallel_loop3A_170, %parallel_loop3A_232 : i32
        %parallel_loop3A_234 = arith.constant 6 : i32
        %parallel_loop3A_235 = arith.index_cast %parallel_loop3A_234 : i32 to index
        %parallel_loop3A_236 = arith.index_cast %parallel_loop3A_233 : i32 to index
        %parallel_loop3A_237 = tpu.vector_load %arg13[%parallel_loop3A_235, %parallel_loop3A_236] {strides = array<i32>} : memref<8x2048xf32, #tpu.memory_space<vmem>>, vector<16xf32>,
        tpu.vector_store %arg13[%parallel_loop3A_235, %parallel_loop3A_236], %parallel_loop3A_231 {strides = array<i32>} : memref<8x2048xf32, #tpu.memory_space<vmem>>, vector<16xf32>,
        %parallel_loop3A_238 = arith.constant 7 : i32
        %parallel_loop3A_239 = vector.broadcast %parallel_loop3A_238 : i32 to vector<16xi32>
        %parallel_loop3A_240 = tpu.vector_load_idx %arg11[%parallel_loop3A_239, %parallel_loop3A_174] : memref<8x2048xf32, #tpu.memory_space<vmem>>[vector<16xi32>, vector<16xi32>], vector<16xf32>,
        %parallel_loop3A_241 = arith.constant 16 : i32
        %parallel_loop3A_242 = arith.muli %parallel_loop3A_170, %parallel_loop3A_241 : i32
        %parallel_loop3A_243 = arith.constant 7 : i32
        %parallel_loop3A_244 = arith.index_cast %parallel_loop3A_243 : i32 to index
        %parallel_loop3A_245 = arith.index_cast %parallel_loop3A_242 : i32 to index
        %parallel_loop3A_246 = tpu.vector_load %arg13[%parallel_loop3A_244, %parallel_loop3A_245] {strides = array<i32>} : memref<8x2048xf32, #tpu.memory_space<vmem>>, vector<16xf32>,
        tpu.vector_store %arg13[%parallel_loop3A_244, %parallel_loop3A_245], %parallel_loop3A_240 {strides = array<i32>} : memref<8x2048xf32, #tpu.memory_space<vmem>>, vector<16xf32>,
      } {sc.loop_unroll_factor = 8 : i64, sc.parallel_access}
      %mul3A_156 = arith.constant 8 : i32
      %mul3A_157 = arith.muli %add3A_141, %mul3A_156 : i32
      %add3A_158 = arith.addi %mul3A_2, %mul3A_157 : i32
      %dma_start3A_159 = arith.constant 0 : i32
      %dma_start3A_160 = tpu.memref_slice %arg5[%add3A_158, %dma_start3A_159] : memref<16384x2048xf32, #tpu.memory_space<hbm>> -> memref<8x2048xf32, #tpu.memory_space<hbm>>
      %dma_start3A_161 = arith.constant 0 : i32
      %dma_start3A_162 = tpu.memref_slice %arg5[%add3A_158, %dma_start3A_161] : memref<16384x2048xf32, #tpu.memory_space<hbm>> -> memref<8x2048xf32, #tpu.memory_space<hbm>>
      tpu.enqueue_dma source(%arg13 : memref<8x2048xf32, #tpu.memory_space<vmem>>) target(%dma_start3A_162 : memref<8x2048xf32, #tpu.memory_space<hbm>>) target_semaphore(%arg19 : memref<!tpu.dma_semaphore, #tpu.memory_space<semaphore_mem>>)
      %add3A_163 = arith.constant 4 : i32
      %add3A_164 = arith.addi %add3A_141, %add3A_163 : i32
      %lt3A_165 = arith.constant 64 : i32
      %lt3A_166 = arith.cmpi slt, %add3A_164, %lt3A_165 : i32
      %convert_element_type3A_167 = arith.extui %lt3A_166 : i1 to i32
      %cond3A_168 = arith.constant 0 : i32
      %cond3A_169 = arith.cmpi ne, %convert_element_type3A_167, %cond3A_168 : i32
      scf.if %cond3A_169 {
        %add3A_170 = arith.constant 4 : i32
        %add3A_171 = arith.addi %add3A_141, %add3A_170 : i32
        %dma_start3A_172 = arith.constant 0 : i32
        %dma_start3A_173 = tpu.memref_slice %arg6[%add3A_171, %dma_start3A_172] : memref<64x8xi32, #tpu.memory_space<vmem>> -> memref<1x8xi32, #tpu.memory_space<vmem>>
        %dma_start3A_174 = tpu.memref_squeeze %dma_start3A_173 : memref<1x8xi32, #tpu.memory_space<vmem>> -> memref<8xi32, #tpu.memory_space<vmem>>
        %dma_start3A_175 = arith.constant 0 : i32
        %dma_start3A_176 = arith.constant 0 : i32
        %dma_start3A_177 = tpu.memref_slice %arg2[%dma_start3A_175, %dma_start3A_176] : memref<16384x2048xf32, #tpu.memory_space<hbm>> -> memref<16384x2048xf32, #tpu.memory_space<hbm>>
        tpu.enqueue_indirect_dma source(%dma_start3A_177 : memref<16384x2048xf32, #tpu.memory_space<hbm>>) target(%arg11 : memref<8x2048xf32, #tpu.memory_space<vmem>>) offsets(%dma_start3A_174 : memref<8xi32, #tpu.memory_space<vmem>>) semaphore(%arg17 : memref<!tpu.dma_semaphore, #tpu.memory_space<semaphore_mem>>)
      } else {
      }
    }
    %scan3A_34 = arith.constant 16 : i32
    %add3A_35 = arith.constant 496 : i32
    %add3A_36 = arith.addi %mul3A_2, %add3A_35 : i32
    %dma_wait3A = arith.constant 0 : i32
    %dma_wait3A_37 = tpu.memref_slice %arg5[%add3A_36, %dma_wait3A] : memref<16384x2048xf32, #tpu.memory_space<hbm>> -> memref<8x2048xf32, #tpu.memory_space<hbm>>
    %dma_wait3A_38 = arith.constant 0 : i32
    %dma_wait3A_39 = tpu.memref_slice %arg5[%add3A_36, %dma_wait3A_38] : memref<16384x2048xf32, #tpu.memory_space<hbm>> -> memref<8x2048xf32, #tpu.memory_space<hbm>>
    tpu.wait_dma2 semaphore(%arg18 : memref<!tpu.dma_semaphore, #tpu.memory_space<semaphore_mem>>) src(%arg12 : memref<8x2048xf32, #tpu.memory_space<vmem>>) dst(%dma_wait3A_39 : memref<8x2048xf32, #tpu.memory_space<hbm>>)
    %add3A_40 = arith.constant 504 : i32
    %add3A_41 = arith.addi %mul3A_2, %add3A_40 : i32
    %dma_wait3A_42 = arith.constant 0 : i32
    %dma_wait3A_43 = tpu.memref_slice %arg5[%add3A_41, %dma_wait3A_42] : memref<16384x2048xf32, #tpu.memory_space<hbm>> -> memref<8x2048xf32, #tpu.memory_space<hbm>>
    %dma_wait3A_44 = arith.constant 0 : i32
    %dma_wait3A_45 = tpu.memref_slice %arg5[%add3A_41, %dma_wait3A_44] : memref<16384x2048xf32, #tpu.memory_space<hbm>> -> memref<8x2048xf32, #tpu.memory_space<hbm>>
    tpu.wait_dma2 semaphore(%arg19 : memref<!tpu.dma_semaphore, #tpu.memory_space<semaphore_mem>>) src(%arg13 : memref<8x2048xf32, #tpu.memory_space<vmem>>) dst(%dma_wait3A_45 : memref<8x2048xf32, #tpu.memory_space<hbm>>)
    return
  }
}

</mosaic_0001>

<sc_bundles>
// kernel: kernel.3.cloned.1.call-start
scs
__scs_entry_jumppad:
0x0: {  	(pc) =	sbr.rel $0x88, $3  }
0x1: {  	(tag) =	ssettag $0x0;
	lr =	simm.s32 $0x1  }
0x2: {  	[smem:$0x3F9E] =	sst lr;
	_ =	strace $0xD0000000  }
0x3: {  	_ = 	snop  }
0x4: {  	_ = 	snop  }
0x5: {  	_ = 	snop  }
0x6: {  	_ = 	snop  }
0x7: {  	_ = 	snop  }
__scs_overlays_trampoline_lowered:
0x8: {  	[smem:$0x3FAD] =	sst s0  }
0x9: {  	[smem:$0x3FAE] =	sst s1  }
0xa: {  	[smem:$0x3FAF] =	sst s2  }
0xb: {  	[smem:$0x3FB0] =	sst s3  }
0xc: {  	[smem:$0x3FB1] =	sst s4  }
0xd: {  	[smem:$0x3FB2] =	sst s5  }
0xe: {  	[smem:$0x3FB3] =	sst s6  }
0xf: {  	[smem:$0x3FB4] =	sst s7  }
0x10: {  	[smem:$0x3FB5] =	sst s8  }
0x11: {  	[smem:$0x3FB6] =	sst s9;
	s0 =	simm.s32 @!p0 $0x0  }
0x12: {  	s1 =	sld [smem:$0x3F9C];
	s0 =	simm.s32 @p0 $0x1  }
0x13: {  	[smem:$0x3FB7] =	sst s0;
	s0 =	simm.s32 @!p1 $0x0  }
0x14: {  	s2 =	sld [smem:$0x3F9B];
	s0 =	simm.s32 @p1 $0x1  }
0x15: {  	[smem:$0x3FB8] =	sst s0;
	s0 =	simm.s32 @!p2 $0x0  }
0x16: {  	s3 =	sld [smem:$0x3FDB];
	s0 =	simm.s32 @p2 $0x1  }
0x17: {  	s4 =	simm.s32 $0x1BF5;
	[smem:$0x3FBA] =	sst s0  }
0x18: {  	s0 =	sld [smem:$0x3F9D];
	_ =	swait.ge [sflag:s4], $0x0  }
0x19: {  	s7 =	sld [smem:$0x3F9E]  }
0x1a: {  	s8 =	sadd.s32 $0xFFFFE003, lr  }
0x1b: {  	s9 =	sadd.s32 $0xFFFFFEF7, lr;
	s5 =	simm.s32 $0xFFFFFFFF;
	p2 =	slt.u32 s8, $0xFFFFF086  }
0x1c: {  	p1 =	slt.u32 s9, $0xF7A;
	s5 =	simm.s32 @!p2 $0x0  }
0x1d: {  	s5 =	simm.s32 @p1 $0x1;
	p0 =	seq.s32 s7, s2  }
0x1e: {  	s7 =	smul.u32 @!p0 $0xF7A, s2;
	p2 =	seq.s32 @!p0 s5, $0x0  }
0x1f: {  	s9 =	smul.u32 $0xF7A, s1;
	s8 =	simm.s32 @!p0 $0x1BF5;
	p2 =	por !p2, p0  }
0x20: {  	[sflag:s8] =	ssyncset.s32 @!p0 $0xFFFFF086;
	s6 =	sadd.s32 @!p0 s3, s7;
	s7 =	simm.s32 @!p0 $0x108  }
0x21: {  	s3 =	sadd.s32 s3, s9;
	s6 =	sadd.s32 @!p0 $0x88, s6;
	s7 =	simm.s32 @p2 $0x1082  }
0x22: {  	[simem:s7], [sflag:s8] =	dma.local @!p0 [hbm:s6], $0xF7A  }
0x23: {  	s9 =	sor.u32 $0xD0000000, s2;
	s6 =	simm.s32 $0x108;
	_ =	swait.ge @!p0 [sflag:s8], $0x0  }
0x24: {  	s3 =	sadd.s32 $0x88, s3;
	s6 =	simm.s32 @!p1 $0x1082;
	[sflag:s4] =	ssyncset.s32 $0xFFFFF086  }
0x25: {  	[simem:s6], [sflag:s4] =	dma.local [hbm:s3], $0xF7A  }
0x26: {  	[smem:$0x3F9E] =	sst s1;
	(tag) =	ssettag s2;
	_ =	strace s9  }
0x27: {  	s1 =	sld [smem:$0x3FAE]  }
0x28: {  	s2 =	sld [smem:$0x3FAF]  }
0x29: {  	s4 =	sld [smem:$0x3FB1]  }
0x2a: {  	p0 =	seq.s32 s5, $0x0;
	s5 =	sld [smem:$0x3FB2]  }
0x2b: {  	s6 =	sld [smem:$0x3FB3]  }
0x2c: {  	s7 =	sld [smem:$0x3FB4]  }
0x2d: {  	s3 =	simm.s32 $0x108;
	s8 =	sld [smem:$0x3FB5]  }
0x2e: {  	s3 =	simm.s32 @!p0 $0x1082;
	s9 =	sld [smem:$0x3FB6]  }
0x2f: {  	lr =	sadd.s32 s0, s3;
	s0 =	sld [smem:$0x3FAD]  }
0x30: {  	s3 =	sld [smem:$0x3FB0]  }
0x31: {  	[smem:$0x3FB9] =	sst s10  }
0x32: {  	s10 =	sld [smem:$0x3FB7];
	_ =	sdelay $0x3  }
0x33: {  	p0 =	seq.s32 s10, $0x1;
	s10 =	sld [smem:$0x3FB9];
	_ =	sdelay $0x3  }
0x34: {  	[smem:$0x3FB9] =	sst s10  }
0x35: {  	s10 =	sld [smem:$0x3FB8];
	_ =	sdelay $0x3  }
0x36: {  	p1 =	seq.s32 s10, $0x1;
	s10 =	sld [smem:$0x3FB9];
	_ =	sdelay $0x3  }
0x37: {  	[smem:$0x3FB9] =	sst s10  }
0x38: {  	s10 =	sld [smem:$0x3FBA]  }
0x39: {  	_ = 	snop;
	(pc) =	sbr.ind lr, $3  }
0x3a: {  	_ = 	snop  }
0x3b: {  	_ = 	snop  }
0x3c: {  	p2 =	seq.s32 s10, $0x1;
	s10 =	sld [smem:$0x3FB9]  }
0x3d: {  	_ =	shalt  }
0x3e: {  	_ =	shalt  }
0x3f: {  	_ =	shalt  }
0x40: {  	_ =	shalt  }
0x41: {  	_ =	shalt  }
0x42: {  	_ =	shalt  }
0x43: {  	_ =	shalt  }
0x44: {  	_ =	shalt  }
0x45: {  	_ =	shalt  }
0x46: {  	_ =	shalt  }
0x47: {  	_ =	shalt  }
0x48: {  	_ =	shalt  }
0x49: {  	_ =	shalt  }
0x4a: {  	_ =	shalt  }
0x4b: {  	_ =	shalt  }
0x4c: {  	_ =	shalt  }
0x4d: {  	_ =	shalt  }
0x4e: {  	_ =	shalt  }
0x4f: {  	_ =	shalt  }
0x50: {  	_ =	shalt  }
0x51: {  	_ =	shalt  }
0x52: {  	_ =	shalt  }
0x53: {  	_ =	shalt  }
0x54: {  	_ =	shalt  }
0x55: {  	_ =	shalt  }
0x56: {  	_ =	shalt  }
0x57: {  	_ =	shalt  }
0x58: {  	_ =	shalt  }
0x59: {  	_ =	shalt  }
0x5a: {  	_ =	shalt  }
0x5b: {  	_ =	shalt  }
0x5c: {  	_ =	shalt  }
0x5d: {  	_ =	shalt  }
0x5e: {  	_ =	shalt  }
0x5f: {  	_ =	shalt  }
0x60: {  	_ =	shalt  }
0x61: {  	_ =	shalt  }
0x62: {  	_ =	shalt  }
0x63: {  	_ =	shalt  }
0x64: {  	_ =	shalt  }
0x65: {  	_ =	shalt  }
0x66: {  	_ =	shalt  }
0x67: {  	_ =	shalt  }
0x68: {  	_ =	shalt  }
0x69: {  	_ =	shalt  }
0x6a: {  	_ =	shalt  }
0x6b: {  	_ =	shalt  }
0x6c: {  	_ =	shalt  }
0x6d: {  	_ =	shalt  }
0x6e: {  	_ =	shalt  }
0x6f: {  	_ =	shalt  }
0x70: {  	_ =	shalt  }
0x71: {  	_ =	shalt  }
0x72: {  	_ =	shalt  }
0x73: {  	_ =	shalt  }
0x74: {  	_ =	shalt  }
0x75: {  	_ =	shalt  }
0x76: {  	_ =	shalt  }
0x77: {  	_ =	shalt  }
0x78: {  	_ =	shalt  }
0x79: {  	_ =	shalt  }
0x7a: {  	_ =	shalt  }
0x7b: {  	_ =	shalt  }
0x7c: {  	_ =	shalt  }
0x7d: {  	_ =	shalt  }
0x7e: {  	_ =	shalt  }
0x7f: {  	_ =	shalt  }
0x80: {  	_ =	shalt  }
0x81: {  	_ =	shalt  }
0x82: {  	_ =	shalt  }
0x83: {  	_ =	shalt  }
0x84: {  	_ =	shalt  }
0x85: {  	_ =	shalt  }
0x86: {  	_ =	shalt  }
0x87: {  	_ =	shalt  }
.Lfunc_end0:
.L_simem_size_0:
called_computation_lowered:
.L_overlay_start_0:
0x88: {  	s2 =	sld [smem:$0x3FD9]  }
0x89: {  	s3 =	sld [smem:$0x3FFE];
	_ =	sdelay $0x1  }
0x8a: {  	s1 =	srdreg.scid  }
0x8b: {  	s0 =	sand.u32 $0x1, s1  }
0x8c: {  	s17 =	sshll.u32 s0, $0xA;
	s2 =	sadd.s32 s3, s2  }
0x8d: {  	s2 =	sadd.s32 s2, s17  }
0x8e: {  	[smem:$0x3FC5] =	sst s2  }
0x8f: {  	_ = 	snop  }
0x90: {  	s2 =	sld [smem:$0x3FC9]  }
0x91: {  	s18 =	sld [smem:$0x3FC7]  }
0x92: {  	s4 =	sld [smem:$0x3FD0];
	(tm) =	ssettm $0x1  }
0x93: {  	s5 =	sld [smem:$0x3FFB];
	_ =	sdelay $0x3  }
0x94: {  	_ =	strace s5  }
0x95: {  	s5 =	sld [smem:$0x3FFC];
	_ =	sdelay $0x3  }
0x96: {  	_ =	strace s5  }
0x97: {  	s5 =	sld [smem:$0x3FFD];
	_ =	sdelay $0x3  }
0x98: {  	_ =	strace s5  }
0x99: {  	_ =	strace $0x8FFFFFFF  }
0x9a: {  	s19 =	sld [smem:$0x3FDB];
	_ =	sdelay $0x1  }
0x9b: {  	s6 =	simm.s32 $_scs_section_size  }
0x9c: {  	s7 =	simm.s32 $_size__tile_overlayer_lowered;
	s8 =	simm.s32 $_tile_overlayer_lowered  }
0x9d: {  	s22 =	simm.s32 $0x1BFF;
	s21 =	sshll.u32 s8, $0x1;
	s5 =	sadd.s32 s6, s19  }
0x9e: {  	s9 =	simm.s32 $0x0;
	s20 =	sshll.u32 s7, $0x1;
	s7 =	sadd.s32 s21, s5  }
0x9f: {  	[timem:s9], [sflag:s22] =	dma.local [hbm:s7], s20  }
0xa0: {  	_ =	swait.ge [sflag:s22], s20  }
0xa1: {  	s6 =	ssub.s32 $0x0, s20;
	[sflag:s22] =	ssyncset.done $0x0  }
0xa2: {  	[sflag:s22] =	ssyncadd.s32 s6;
	_ =	sdelay $0x1  }
0xa3: {  	s23 =	simm.s32 $0x1B8B  }
0xa4: {  	_ =	swait.ge [sflag:s23], $0x1  }
0xa5: {  	[sflag:s23] =	ssyncset.done $0x0  }
0xa6: {  	s25 =	simm.s32 $0x1B8E;
	s24 =	sld [smem:$0x3FFE];
	[sflag:s23] =	ssyncadd.s32 $0xFFFFFFFF  }
0xa7: {  	s26 =	simm.s32 $execute0_lowered;
	[smem:$0x3FD2] =	sst s25  }
0xa8: {  	s7 =	sshll.u32 s26, $0x1;
	_ =	strace $0x80000046;
	[dreg:$0x1] =	wrdreg $0xFFFFFFFF  }
0xa9: {  	s28 =	simm.s32 $_size_execute0_lowered;
	s5 =	sadd.s32 s5, s7;
	[dreg:$0x0] =	wrdreg $0x0  }
0xaa: {  	s7 =	sshll.u32 s28, $0x1;
	[dreg:$0x2] =	wrdreg s5  }
0xab: {  	[dreg:$0x3] =	wrdreg s7  }
0xac: {  	[dreg:$0x4] =	wrdreg $0xC0  }
0xad: {  	_ =	task [dreg:s9], $0x5FFFF  }
0xae: {  	[dreg:$0x1] =	wrdreg $0xFFFFFFFF  }
0xaf: {  	[dreg:$0x0] =	wrdreg $0x60  }
0xb0: {  	[dreg:$0x2] =	wrdreg s2  }
0xb1: {  	[dreg:$0x3] =	wrdreg s24  }
0xb2: {  	[dreg:$0x4] =	wrdreg s18  }
0xb3: {  	[dreg:$0x5] =	wrdreg s4  }
0xb4: {  	[dreg:$0x6] =	wrdreg $0x9  }
0xb5: {  	_ =	task.clear_ibuf [dreg:s9], $0x7FFFF;
	_ =	strace $0x90000046  }
0xb6: {  	s29 =	simm.s32 $0x9;
	_ =	strace $0x80000048  }
0xb7: {  	_ =	swait.ge [sflag:s29], $0x1  }
0xb8: {  	[sflag:s29] =	ssyncadd.s32 $0xFFFFFFFF  }
0xb9: {  	_ =	strace $0x90000048  }
0xba: {  	_ =	sfence  }
0xbb: {  	s30 =	sld [smem:$0x0];
	_ =	sdelay $0x2  }
0xbc: {  	s31 =	sshll.u32 s1, $0xD;
	s1 =	sshrl.u32 s1, $0x2  }
0xbd: {  	s3 =	sand.u32 $0x4000, s31;
	s1 =	sadd.s32 s1, s30  }
0xbe: {  	s0 =	sor.u32 s3, s0;
	s1 =	sshll.u32 s1, $0x11  }
0xbf: {  	s0 =	sor.u32 s1, s0  }
0xc0: {  	s0 =	sadd.s32 $0x8F2B, s0  }
0xc1: {  	[sflag:s0] =	ssyncadd.remote.s32 $0x1  }
0xc2: {  	_ =	sfence.sel $0xFFFF  }
0xc3: {  	[dreg:$0x0] =	wrdreg $0xFFFFFFFF;
	(pc) =	sbr.abs _section_cstart, $3  }
0xc4: {  	[dreg:$0x1] =	wrdreg $0xFFFFFFFF  }
0xc5: {  	_ =	task.clear_ibuf [dreg:s9], $0x2FFFF;
	_ =	strace $0x9FFFFFFF  }
0xc6: {  	(tm) =	ssettm $0x7FFFFFFF  }
0xc7: {  	_ =	shalt  }
tec
execute0_lowered:
.L_overlay_start_1:
0x0: {  	(tag) =	ssettag $0x1  }
0x1: {  	s1 =	rddreg [dreg:$0x0]  }
0x2: {  	s0 =	rddreg [dreg:$0x1];
	s2 =	srdreg.scid  }
0x3: {  	s3 =	stileid.u32;
	s6 =	rddreg [dreg:$0x3]  }
0x4: {  	s5 =	simm.s32 $0x0;
	s19 =	simm.s32 $0x2800;
	s28 =	simm.s32 $0x6800  }
0x5: {  	s29 =	simm.s32 $0xA800;
	s31 =	simm.s32 $0xE800;
	s17 =	simm.s32 $0x1  }
0x6: {  	s20 =	simm.s32 $0x12800;
	s21 =	simm.s32 $0x2;
	s22 =	simm.s32 $0x6  }
0x7: {  	s23 =	simm.s32 $0x16800;
	s24 =	simm.s32 $0x3;
	s2 =	sand.u32 $0x1, s2  }
0x8: {  	s3 =	sshll.u32 s3, $0x1;
	[smem:$0x7FF] =	sst s5;
	s8 =	sadd.s32 $0x100, s1  }
0x9: {  	s9 =	sadd.s32 $0x200, s1;
	s10 =	sadd.s32 $0x300, s1;
	s11 =	sadd.s32 $0x400, s1  }
0xa: {  	s12 =	sadd.s32 $0x500, s1;
	s13 =	sadd.s32 $0x600, s1;
	s14 =	sadd.s32 $0x700, s1  }
0xb: {  	s3 =	sor.u32 s2, s3;
	s2 =	ssub.s32 $0x2, s2;
	_ =	strace $0x80000047  }
.Ltmp0:
0xc: {  	s4 =	sshll.u32 s3, $0xA;
	s25 =	sshrl.u32 s2, $0x1;
	(pc) =	sbr.rel .LBB2_1-.Ltmp0, $4  }
0xd: {  	s7 =	sshll.u32 s3, $0x9;
	s26 =	sshll.u32 s3, $0x11;
	s0 =	sadd.s32 s4, s0  }
0xe: {  	v0 =	vlaneseq.u32;
	s2 =	ssub.s32 s2, s25;
	s15 =	sadd.s32 s6, s26;
	s0 =	sadd.s32 $0x400, s0  }
0xf: {  	v1 =	vshrl.u32 v0, $0x3;
	s25 =	simm.s32 $0x5;
	s30 =	smax.u32 s2, $0x1;
	[dreg:$0x5] =	wrdreg s0  }
0x10: {  	vm0 =	vmmov $0xffff;
	v0 =	vand.u32 $0x7, v0;
	v1 =	vmul.u32 $0x8, v1;
	s26 =	simm.s32 $0x4;
	s2 =	simm.s32 $0x0;
	[dreg:$0x6] =	wrdreg s30  }
.LBB2_16:
0x11: {  	_ =	swait.ge [sflag:s25], $0x4000  }
0x12: {  	[sflag:s25] =	ssyncset.done $0x0  }
0x13: {  	[sflag:s25] =	ssyncadd.s32 $0xFFFFC000  }
0x14: {  	_ =	swait.ge [sflag:s22], $0x4000  }
0x15: {  	s2 =	rddreg [dreg:$0x7]  }
0x16: {  	s0 =	rddreg [dreg:$0x6];
	s2 =	sadd.s32 $0x1, s2  }
0x17: {  	p0 =	sne.s32 s2, s0  }
.Ltmp1:
0x18: {  	_ = 	snop;
	(pc) =	sbr.rel @!p0 .LBB2_17-.Ltmp1, $3  }
0x19: {  	_ =	sdelay $0x1  }
0x1a: {  	[sflag:s22] =	ssyncset.done $0x0  }
0x1b: {  	[sflag:s22] =	ssyncadd.s32 $0xFFFFC000  }
.LBB2_1:
0x1c: {  	[dreg:$0x7] =	wrdreg s2  }
0x1d: {  	s0 =	rddreg [dreg:$0x5];
	s18 =	simm.s32 $0x7  }
0x1e: {  	[tilespmem:s5], [sflag:$0x7] =	stream.linear.gather [hbm4b:s0+s5], $0x2000, $0x38;
	[tilespmem:$0x1A800] =	vst v63  }
0x1f: {  	_ =	swait.ge [sflag:s18], $0x2000  }
0x20: {  	[sflag:s18] =	ssyncset.done $0x0  }
0x21: {  	[sflag:s18] =	ssyncadd.s32 $0xFFFFE000  }
0x22: {  	s3 =	simm.s32 $0x2000;
	s30 =	rddreg [dreg:$0x2]  }
0x23: {  	[tilespmem:s3], [sflag:$0x7] =	stream.linear.gather [hbm4b:s30+s5], $0x800, $0x38;
	[tilespmem:$0x1A800] =	vst v63  }
0x24: {  	_ =	swait.ge [sflag:s18], $0x800  }
0x25: {  	[sflag:s18] =	ssyncset.done $0x0  }
0x26: {  	[sflag:s18] =	ssyncadd.s32 $0xFFFFF800  }
0x27: {  	v2 =	vld.msk [tilespmem:$0x0], $0xff;
	_ =	sdelay $0x4  }
0x28: {  	v3 =	vshll.u32 v2, $0x4  }
0x29: {  	v2 =	vand.u32 $0x7, v2;
	v3 =	vand.u32 $0xFFFFFF80, v3  }
0x2a: {  	v2 =	vor.u32 v2, v3  }
0x2b: {  	v2 =	vperm.xlane v2, v0;
	_ =	sdelay $0x1  }
0x2c: {  	v2 =	vadd.s32 v1, v2;
	_ =	sdelay $0x4  }
0x2d: {  	[tilespmem:s19], [sflag:$0x1] =	stream.indirect_vreg.gather [hbm4b:s1+s5], $0x80, v2, vm0, $0xb8;
	[tilespmem:$0x1A800] =	vst v63  }
0x2e: {  	s2 =	simm.s32 $0x3000  }
0x2f: {  	[tilespmem:s2], [sflag:$0x1] =	stream.indirect_vreg.gather [hbm4b:s8+s5], $0x80, v2, vm0, $0xb8;
	[tilespmem:$0x1A800] =	vst v63  }
0x30: {  	s3 =	simm.s32 $0x3800  }
0x31: {  	[tilespmem:s3], [sflag:$0x1] =	stream.indirect_vreg.gather [hbm4b:s9+s5], $0x80, v2, vm0, $0xb8;
	[tilespmem:$0x1A800] =	vst v63  }
0x32: {  	s4 =	simm.s32 $0x4000  }
0x33: {  	[tilespmem:s4], [sflag:$0x1] =	stream.indirect_vreg.gather [hbm4b:s10+s5], $0x80, v2, vm0, $0xb8;
	[tilespmem:$0x1A800] =	vst v63  }
0x34: {  	s6 =	simm.s32 $0x4800  }
0x35: {  	[tilespmem:s6], [sflag:$0x1] =	stream.indirect_vreg.gather [hbm4b:s11+s5], $0x80, v2, vm0, $0xb8;
	[tilespmem:$0x1A800] =	vst v63  }
0x36: {  	s16 =	simm.s32 $0x5000  }
0x37: {  	[tilespmem:s16], [sflag:$0x1] =	stream.indirect_vreg.gather [hbm4b:s12+s5], $0x80, v2, vm0, $0xb8;
	[tilespmem:$0x1A800] =	vst v63  }
0x38: {  	s18 =	simm.s32 $0x5800  }
0x39: {  	[tilespmem:s18], [sflag:$0x1] =	stream.indirect_vreg.gather [hbm4b:s13+s5], $0x80, v2, vm0, $0xb8;
	[tilespmem:$0x1A800] =	vst v63  }
0x3a: {  	s30 =	simm.s32 $0x6000  }
0x3b: {  	[tilespmem:s30], [sflag:$0x1] =	stream.indirect_vreg.gather [hbm4b:s14+s5], $0x80, v2, vm0, $0xb8;
	[tilespmem:$0x1A800] =	vst v63  }
0x3c: {  	v2 =	vld.msk [tilespmem:$0x80], $0xff;
	_ =	sdelay $0x4  }
0x3d: {  	v3 =	vshll.u32 v2, $0x4  }
0x3e: {  	v2 =	vand.u32 $0x7, v2;
	v3 =	vand.u32 $0xFFFFFF80, v3  }
0x3f: {  	v2 =	vor.u32 v2, v3  }
0x40: {  	v2 =	vperm.xlane v2, v0;
	_ =	sdelay $0x1  }
0x41: {  	v2 =	vadd.s32 v1, v2;
	_ =	sdelay $0x4  }
0x42: {  	[tilespmem:s28], [sflag:$0x2] =	stream.indirect_vreg.gather [hbm4b:s1+s5], $0x80, v2, vm0, $0xb8;
	[tilespmem:$0x1A800] =	vst v63  }
0x43: {  	s2 =	simm.s32 $0x7000  }
0x44: {  	[tilespmem:s2], [sflag:$0x2] =	stream.indirect_vreg.gather [hbm4b:s8+s5], $0x80, v2, vm0, $0xb8;
	[tilespmem:$0x1A800] =	vst v63  }
0x45: {  	s3 =	simm.s32 $0x7800  }
0x46: {  	[tilespmem:s3], [sflag:$0x2] =	stream.indirect_vreg.gather [hbm4b:s9+s5], $0x80, v2, vm0, $0xb8;
	[tilespmem:$0x1A800] =	vst v63  }
0x47: {  	s4 =	simm.s32 $0x8000  }
0x48: {  	[tilespmem:s4], [sflag:$0x2] =	stream.indirect_vreg.gather [hbm4b:s10+s5], $0x80, v2, vm0, $0xb8;
	[tilespmem:$0x1A800] =	vst v63  }
0x49: {  	s6 =	simm.s32 $0x8800  }
0x4a: {  	[tilespmem:s6], [sflag:$0x2] =	stream.indirect_vreg.gather [hbm4b:s11+s5], $0x80, v2, vm0, $0xb8;
	[tilespmem:$0x1A800] =	vst v63  }
0x4b: {  	s16 =	simm.s32 $0x9000  }
0x4c: {  	[tilespmem:s16], [sflag:$0x2] =	stream.indirect_vreg.gather [hbm4b:s12+s5], $0x80, v2, vm0, $0xb8;
	[tilespmem:$0x1A800] =	vst v63  }
0x4d: {  	s18 =	simm.s32 $0x9800  }
0x4e: {  	[tilespmem:s18], [sflag:$0x2] =	stream.indirect_vreg.gather [hbm4b:s13+s5], $0x80, v2, vm0, $0xb8;
	[tilespmem:$0x1A800] =	vst v63  }
0x4f: {  	s30 =	simm.s32 $0xA000  }
0x50: {  	[tilespmem:s30], [sflag:$0x2] =	stream.indirect_vreg.gather [hbm4b:s14+s5], $0x80, v2, vm0, $0xb8;
	[tilespmem:$0x1A800] =	vst v63  }
0x51: {  	v2 =	vld.msk [tilespmem:$0x100], $0xff;
	_ =	sdelay $0x4  }
0x52: {  	v3 =	vshll.u32 v2, $0x4  }
0x53: {  	v2 =	vand.u32 $0x7, v2;
	v3 =	vand.u32 $0xFFFFFF80, v3  }
0x54: {  	v2 =	vor.u32 v2, v3  }
0x55: {  	v2 =	vperm.xlane v2, v0;
	_ =	sdelay $0x1  }
0x56: {  	v2 =	vadd.s32 v1, v2;
	_ =	sdelay $0x4  }
0x57: {  	[tilespmem:s29], [sflag:$0x3] =	stream.indirect_vreg.gather [hbm4b:s1+s5], $0x80, v2, vm0, $0xb8;
	[tilespmem:$0x1A800] =	vst v63  }
0x58: {  	s2 =	simm.s32 $0xB000  }
0x59: {  	[tilespmem:s2], [sflag:$0x3] =	stream.indirect_vreg.gather [hbm4b:s8+s5], $0x80, v2, vm0, $0xb8;
	[tilespmem:$0x1A800] =	vst v63  }
0x5a: {  	s3 =	simm.s32 $0xB800  }
0x5b: {  	[tilespmem:s3], [sflag:$0x3] =	stream.indirect_vreg.gather [hbm4b:s9+s5], $0x80, v2, vm0, $0xb8;
	[tilespmem:$0x1A800] =	vst v63  }
0x5c: {  	s4 =	simm.s32 $0xC000  }
0x5d: {  	[tilespmem:s4], [sflag:$0x3] =	stream.indirect_vreg.gather [hbm4b:s10+s5], $0x80, v2, vm0, $0xb8;
	[tilespmem:$0x1A800] =	vst v63  }
0x5e: {  	s6 =	simm.s32 $0xC800  }
0x5f: {  	[tilespmem:s6], [sflag:$0x3] =	stream.indirect_vreg.gather [hbm4b:s11+s5], $0x80, v2, vm0, $0xb8;
	[tilespmem:$0x1A800] =	vst v63  }
0x60: {  	s16 =	simm.s32 $0xD000  }
0x61: {  	[tilespmem:s16], [sflag:$0x3] =	stream.indirect_vreg.gather [hbm4b:s12+s5], $0x80, v2, vm0, $0xb8;
	[tilespmem:$0x1A800] =	vst v63  }
0x62: {  	s18 =	simm.s32 $0xD800  }
0x63: {  	[tilespmem:s18], [sflag:$0x3] =	stream.indirect_vreg.gather [hbm4b:s13+s5], $0x80, v2, vm0, $0xb8;
	[tilespmem:$0x1A800] =	vst v63  }
0x64: {  	s30 =	simm.s32 $0xE000  }
0x65: {  	[tilespmem:s30], [sflag:$0x3] =	stream.indirect_vreg.gather [hbm4b:s14+s5], $0x80, v2, vm0, $0xb8;
	[tilespmem:$0x1A800] =	vst v63  }
0x66: {  	v2 =	vld.msk [tilespmem:$0x180], $0xff;
	_ =	sdelay $0x4  }
0x67: {  	v3 =	vshll.u32 v2, $0x4  }
0x68: {  	v2 =	vand.u32 $0x7, v2;
	v3 =	vand.u32 $0xFFFFFF80, v3  }
0x69: {  	v2 =	vor.u32 v2, v3  }
0x6a: {  	v2 =	vperm.xlane v2, v0;
	_ =	sdelay $0x1  }
0x6b: {  	v2 =	vadd.s32 v1, v2;
	_ =	sdelay $0x4  }
0x6c: {  	[tilespmem:s31], [sflag:$0x4] =	stream.indirect_vreg.gather [hbm4b:s1+s5], $0x80, v2, vm0, $0xb8;
	[tilespmem:$0x1A800] =	vst v63  }
0x6d: {  	s2 =	simm.s32 $0xF000  }
0x6e: {  	[tilespmem:s2], [sflag:$0x4] =	stream.indirect_vreg.gather [hbm4b:s8+s5], $0x80, v2, vm0, $0xb8;
	[tilespmem:$0x1A800] =	vst v63  }
0x6f: {  	s3 =	simm.s32 $0xF800  }
0x70: {  	[tilespmem:s3], [sflag:$0x4] =	stream.indirect_vreg.gather [hbm4b:s9+s5], $0x80, v2, vm0, $0xb8;
	[tilespmem:$0x1A800] =	vst v63  }
0x71: {  	s4 =	simm.s32 $0x10000  }
0x72: {  	[tilespmem:s4], [sflag:$0x4] =	stream.indirect_vreg.gather [hbm4b:s10+s5], $0x80, v2, vm0, $0xb8;
	[tilespmem:$0x1A800] =	vst v63  }
0x73: {  	s6 =	simm.s32 $0x10800  }
0x74: {  	[tilespmem:s6], [sflag:$0x4] =	stream.indirect_vreg.gather [hbm4b:s11+s5], $0x80, v2, vm0, $0xb8;
	[tilespmem:$0x1A800] =	vst v63  }
0x75: {  	s16 =	simm.s32 $0x11000  }
0x76: {  	[tilespmem:s16], [sflag:$0x4] =	stream.indirect_vreg.gather [hbm4b:s12+s5], $0x80, v2, vm0, $0xb8;
	[tilespmem:$0x1A800] =	vst v63  }
0x77: {  	s18 =	simm.s32 $0x11800  }
0x78: {  	[tilespmem:s18], [sflag:$0x4] =	stream.indirect_vreg.gather [hbm4b:s13+s5], $0x80, v2, vm0, $0xb8;
	[tilespmem:$0x1A800] =	vst v63  }
0x79: {  	s30 =	simm.s32 $0x12000;
	s4 =	simm.s32 $0x0  }
0x7a: {  	[tilespmem:s30], [sflag:$0x4] =	stream.indirect_vreg.gather [hbm4b:s14+s5], $0x80, v2, vm0, $0xb8;
	[tilespmem:$0x1A800] =	vst v63  }
.LBB2_2:
0x7b: {  	_ =	swait.ge [sflag:s17], $0x4000  }
0x7c: {  	p0 =	seq.s32 s4, $0x0;
	[sflag:s17] =	ssyncset.done $0x0  }
0x7d: {  	s0 =	simm.s32 @!p0 $0x5;
	[sflag:s17] =	ssyncadd.s32 $0xFFFFC000  }
0x7e: {  	_ =	swait.ge @!p0 [sflag:s0], $0x4000  }
0x7f: {  	[sflag:s0] =	ssyncset.done @!p0 $0x0  }
0x80: {  	s30 =	simm.s32 $0x2040;
	[sflag:s0] =	ssyncadd.s32 @!p0 $0xFFFFC000  }
0x81: {  	v2 =	vld [tilespmem:s30+$0x30]  }
0x82: {  	v3 =	vld [tilespmem:s30+$0xFFFFFFD0]  }
0x83: {  	v8 =	vld [tilespmem:s30+$0xFFFFFFF0]  }
0x84: {  	v5 =	vld [tilespmem:s30+$0xFFFFFFE0]  }
0x85: {  	v7 =	vld [tilespmem:s30+$0xFFFFFFC0]  }
0x86: {  	v4 =	vshll.u32 v2, $0x3  }
0x87: {  	v2 =	vand.u32 $0x7F, v2;
	v4 =	vand.u32 $0xFFFFFC00, v4  }
0x88: {  	v15 =	vshll.u32 v8, $0x3;
	v6 =	vor.u32 v2, v4;
	v2 =	vshll.u32 v3, $0x3  }
0x89: {  	v8 =	vand.u32 $0x7F, v8;
	v4 =	vand.u32 $0xFFFFFC00, v2;
	v2 =	vshll.u32 v5, $0x3  }
0x8a: {  	v10 =	vld [tilespmem:s30+$0x10];
	v3 =	vand.u32 $0x7F, v3;
	v11 =	vand.u32 $0xFFFFFC00, v2;
	v2 =	vshll.u32 v7, $0x3  }
0x8b: {  	v9 =	vld [tilespmem:s30+$0x0];
	v7 =	vand.u32 $0x7F, v7;
	v4 =	vor.u32 v3, v4;
	v2 =	vand.u32 $0xFFFFFC00, v2  }
0x8c: {  	v5 =	vand.u32 $0x7F, v5;
	v2 =	vor.u32 v7, v2;
	v7 =	vand.u32 $0xFFFFFC00, v15  }
0x8d: {  	v3 =	vor.u32 v5, v11;
	v12 =	vld.idx.msk [tilespmem:v6+s19+$0x0], $0xffff;
	v5 =	vor.u32 v8, v7  }
0x8e: {  	v14 =	vld [tilespmem:s30+$0x20];
	v13 =	vor.u32 $0x80, v6  }
0x8f: {  	v11 =	vshll.u32 v10, $0x3  }
0x90: {  	v15 =	vshll.u32 v9, $0x3;
	v7 =	vand.u32 $0xFFFFFC00, v11;
	v11 =	vld.idx.msk [tilespmem:v4+s19+$0x0], $0xffff  }
0x91: {  	s0 =	simm.s32 $0x12A00;
	v17 =	vor.u32 $0x80, v4;
	v9 =	vand.u32 $0x7F, v9;
	v15 =	vand.u32 $0xFFFFFC00, v15  }
0x92: {  	v8 =	vand.u32 $0x7F, v10;
	[tilespmem:s0+$0xFFFFFE70] =	vst v12;
	v12 =	vor.u32 v9, v15;
	v16 =	vld.idx.msk [tilespmem:v5+s19+$0x0], $0xffff  }
0x93: {  	v10 =	vshll.u32 v14, $0x3;
	v9 =	vld.idx.msk [tilespmem:v13+s19+$0x0], $0xffff;
	v13 =	vor.u32 v8, v7  }
0x94: {  	v15 =	vor.u32 $0x100, v6;
	v7 =	vld.idx.msk [tilespmem:v2+s19+$0x0], $0xffff;
	v8 =	vand.u32 $0xFFFFFC00, v10;
	v10 =	vand.u32 $0x7F, v14  }
0x95: {  	v14 =	vor.u32 v10, v8;
	v8 =	vld.idx.msk [tilespmem:v3+s19+$0x0], $0xffff;
	v10 =	vor.u32 $0x80, v2;
	[tilespmem:s0+$0xFFFFFE10] =	vst v11  }
0x96: {  	v17 =	vld.idx.msk [tilespmem:v17+s19+$0x0], $0xffff  }
0x97: {  	v19 =	vor.u32 $0x80, v3;
	v18 =	vld.idx.msk [tilespmem:v12+s19+$0x0], $0xffff  }
0x98: {  	v20 =	vld.idx.msk [tilespmem:v13+s19+$0x0], $0xffff;
	[tilespmem:s0+$0xFFFFFEF0] =	vst v9;
	v9 =	vor.u32 $0x80, v5  }
0x99: {  	[tilespmem:s0+$0xFFFFFE00] =	vst v7;
	v7 =	vld.idx.msk [tilespmem:v15+s19+$0x0], $0xffff;
	v15 =	vor.u32 $0x80, v12  }
0x9a: {  	v21 =	vor.u32 $0x80, v13;
	[tilespmem:s0+$0xFFFFFE30] =	vst v16;
	v10 =	vld.idx.msk [tilespmem:v10+s19+$0x0], $0xffff  }
0x9b: {  	v11 =	vld.idx.msk [tilespmem:v14+s19+$0x0], $0xffff;
	[tilespmem:s0+$0xFFFFFE20] =	vst v8;
	v8 =	vor.u32 $0x180, v6  }
0x9c: {  	v16 =	vor.u32 $0x80, v14;
	v19 =	vld.idx.msk [tilespmem:v19+s19+$0x0], $0xffff;
	[tilespmem:s0+$0xFFFFFE40] =	vst v18  }
0x9d: {  	v18 =	vor.u32 $0x100, v2;
	v9 =	vld.idx.msk [tilespmem:v9+s19+$0x0], $0xffff;
	[tilespmem:s0+$0xFFFFFE50] =	vst v20  }
0x9e: {  	v20 =	vor.u32 $0x100, v4;
	v15 =	vld.idx.msk [tilespmem:v15+s19+$0x0], $0xffff;
	[tilespmem:s0+$0xFFFFFF70] =	vst v7  }
0x9f: {  	v7 =	vor.u32 $0x100, v3;
	[tilespmem:s0+$0xFFFFFE80] =	vst v10;
	v10 =	vld.idx.msk [tilespmem:v21+s19+$0x0], $0xffff  }
0xa0: {  	[tilespmem:s0+$0xFFFFFE60] =	vst v11;
	v11 =	vor.u32 $0x100, v5;
	v8 =	vld.idx.msk [tilespmem:v8+s19+$0x0], $0xffff  }
0xa1: {  	v61 =	vor.u32 $0x100, v12;
	[tilespmem:s0+$0xFFFFFE90] =	vst v17;
	v16 =	vld.idx.msk [tilespmem:v16+s19+$0x0], $0xffff  }
0xa2: {  	[tilespmem:s0+$0xFFFFFEA0] =	vst v19;
	v19 =	vor.u32 $0x100, v13;
	v18 =	vld.idx.msk [tilespmem:v18+s19+$0x0], $0xffff  }
0xa3: {  	v17 =	vor.u32 $0x200, v6;
	v20 =	vld.idx.msk [tilespmem:v20+s19+$0x0], $0xffff;
	[tilespmem:s0+$0xFFFFFEB0] =	vst v9  }
0xa4: {  	v9 =	vor.u32 $0x100, v14;
	v7 =	vld.idx.msk [tilespmem:v7+s19+$0x0], $0xffff;
	[tilespmem:s0+$0xFFFFFEC0] =	vst v15  }
0xa5: {  	v15 =	vor.u32 $0x180, v2;
	v11 =	vld.idx.msk [tilespmem:v11+s19+$0x0], $0xffff;
	[tilespmem:s0+$0xFFFFFED0] =	vst v10  }
0xa6: {  	[tilespmem:s0+$0xFFFFFFF0] =	vst v8;
	v8 =	vor.u32 $0x180, v4;
	v21 =	vld.idx.msk [tilespmem:v61+s19+$0x0], $0xffff  }
0xa7: {  	[tilespmem:s0+$0xFFFFFEE0] =	vst v16;
	v16 =	vld.idx.msk [tilespmem:v19+s19+$0x0], $0xffff;
	v19 =	vor.u32 $0x180, v5  }
0xa8: {  	v10 =	vld.idx.msk [tilespmem:v17+s19+$0x0], $0xffff;
	v17 =	vor.u32 $0x180, v3;
	[tilespmem:s0+$0xFFFFFF00] =	vst v18  }
0xa9: {  	v18 =	vor.u32 $0x280, v6;
	[tilespmem:s0+$0xFFFFFF10] =	vst v20;
	v9 =	vld.idx.msk [tilespmem:v9+s19+$0x0], $0xffff  }
0xaa: {  	v20 =	vor.u32 $0x180, v12;
	v15 =	vld.idx.msk [tilespmem:v15+s19+$0x0], $0xffff;
	[tilespmem:s0+$0xFFFFFF20] =	vst v7  }
0xab: {  	v7 =	vor.u32 $0x180, v13;
	[tilespmem:s0+$0xFFFFFF30] =	vst v11;
	v8 =	vld.idx.msk [tilespmem:v8+s19+$0x0], $0xffff  }
0xac: {  	v11 =	vor.u32 $0x180, v14;
	[tilespmem:s0+$0xFFFFFF40] =	vst v21;
	v19 =	vld.idx.msk [tilespmem:v19+s19+$0x0], $0xffff  }
0xad: {  	v17 =	vld.idx.msk [tilespmem:v17+s19+$0x0], $0xffff;
	[tilespmem:s0+$0x70] =	vst v10;
	v10 =	vor.u32 $0x200, v2  }
0xae: {  	v62 =	vor.u32 $0x200, v4;
	[tilespmem:s0+$0xFFFFFF50] =	vst v16;
	v18 =	vld.idx.msk [tilespmem:v18+s19+$0x0], $0xffff  }
0xaf: {  	v16 =	vld.idx.msk [tilespmem:v20+s19+$0x0], $0xffff;
	[tilespmem:s0+$0xFFFFFF60] =	vst v9;
	v9 =	vor.u32 $0x300, v6  }
0xb0: {  	v20 =	vor.u32 $0x200, v3;
	[tilespmem:s0+$0xFFFFFF80] =	vst v15;
	v7 =	vld.idx.msk [tilespmem:v7+s19+$0x0], $0xffff  }
0xb1: {  	v15 =	vor.u32 $0x200, v5;
	[tilespmem:s0+$0xFFFFFF90] =	vst v8;
	v8 =	vld.idx.msk [tilespmem:v11+s19+$0x0], $0xffff  }
0xb2: {  	v11 =	vor.u32 $0x200, v12;
	v10 =	vld.idx.msk [tilespmem:v10+s19+$0x0], $0xffff;
	[tilespmem:s0+$0xFFFFFFA0] =	vst v17  }
0xb3: {  	v17 =	vor.u32 $0x200, v13;
	v21 =	vld.idx.msk [tilespmem:v62+s19+$0x0], $0xffff;
	[tilespmem:s0+$0xF0] =	vst v18  }
0xb4: {  	[tilespmem:s0+$0xFFFFFFB0] =	vst v19;
	v18 =	vor.u32 $0x200, v14;
	v9 =	vld.idx.msk [tilespmem:v9+s19+$0x0], $0xffff  }
0xb5: {  	v19 =	vor.u32 $0x280, v2;
	v20 =	vld.idx.msk [tilespmem:v20+s19+$0x0], $0xffff;
	[tilespmem:s0+$0xFFFFFFC0] =	vst v16  }
0xb6: {  	v6 =	vor.u32 $0x380, v6;
	v15 =	vld.idx.msk [tilespmem:v15+s19+$0x0], $0xffff;
	[tilespmem:s0+$0xFFFFFFD0] =	vst v7  }
0xb7: {  	v7 =	vor.u32 $0x280, v4;
	v11 =	vld.idx.msk [tilespmem:v11+s19+$0x0], $0xffff;
	[tilespmem:s0+$0xFFFFFFE0] =	vst v8  }
0xb8: {  	v8 =	vor.u32 $0x280, v3;
	[tilespmem:s0+$0x0] =	vst v10;
	v10 =	vld.idx.msk [tilespmem:v17+s19+$0x0], $0xffff  }
0xb9: {  	v16 =	vor.u32 $0x280, v5;
	[tilespmem:s0+$0x10] =	vst v21;
	v17 =	vld.idx.msk [tilespmem:v18+s19+$0x0], $0xffff  }
0xba: {  	v18 =	vor.u32 $0x280, v12;
	v19 =	vld.idx.msk [tilespmem:v19+s19+$0x0], $0xffff;
	[tilespmem:s0+$0x170] =	vst v9  }
0xbb: {  	v9 =	vor.u32 $0x280, v13;
	[tilespmem:s0+$0x20] =	vst v20;
	v6 =	vld.idx.msk [tilespmem:v6+s19+$0x0], $0xffff  }
0xbc: {  	v20 =	vor.u32 $0x280, v14;
	v7 =	vld.idx.msk [tilespmem:v7+s19+$0x0], $0xffff;
	[tilespmem:s0+$0x30] =	vst v15  }
0xbd: {  	v15 =	vor.u32 $0x300, v2;
	v8 =	vld.idx.msk [tilespmem:v8+s19+$0x0], $0xffff;
	[tilespmem:s0+$0x40] =	vst v11  }
0xbe: {  	v11 =	vor.u32 $0x300, v4;
	v63 =	vld.idx.msk [tilespmem:v16+s19+$0x0], $0xffff;
	[tilespmem:s0+$0x50] =	vst v10  }
0xbf: {  	v22 =	vor.u32 $0x300, v3;
	v23 =	vld.idx.msk [tilespmem:v18+s19+$0x0], $0xffff;
	[tilespmem:s0+$0x60] =	vst v17  }
0xc0: {  	v24 =	vor.u32 $0x300, v5;
	[tilespmem:s0+$0x80] =	vst v19;
	v19 =	vld.idx.msk [tilespmem:v9+s19+$0x0], $0xffff  }
0xc1: {  	v25 =	vor.u32 $0x300, v12;
	v17 =	vld.idx.msk [tilespmem:v20+s19+$0x0], $0xffff;
	[tilespmem:s0+$0x1F0] =	vst v6  }
0xc2: {  	v16 =	vld.idx.msk [tilespmem:v15+s19+$0x0], $0xffff;
	[tilespmem:s0+$0x90] =	vst v7  }
0xc3: {  	v15 =	vld.idx.msk [tilespmem:v11+s19+$0x0], $0xffff;
	[tilespmem:s0+$0xA0] =	vst v8  }
0xc4: {  	v10 =	vor.u32 $0x300, v13;
	v9 =	vor.u32 $0x380, v2;
	v2 =	vor.u32 $0x380, v14;
	[tilespmem:s0+$0xB0] =	vst v63;
	v18 =	vld.idx.msk [tilespmem:v22+s19+$0x0], $0xffff  }
0xc5: {  	s2 =	sshll.u32 s4, $0xB;
	v7 =	vor.u32 $0x380, v3;
	v6 =	vor.u32 $0x380, v5;
	v3 =	vor.u32 $0x380, v13;
	v5 =	vld.idx.msk [tilespmem:v24+s19+$0x0], $0xffff;
	[tilespmem:s0+$0xC0] =	vst v23  }
0xc6: {  	s18 =	simm.s32 $0x0;
	s6 =	simm.s32 $0x20C0;
	s3 =	simm.s32 $0x12A00;
	v8 =	vor.u32 $0x380, v4;
	v11 =	vor.u32 $0x300, v14;
	v4 =	vor.u32 $0x380, v12;
	v12 =	vld.idx.msk [tilespmem:v25+s19+$0x0], $0xffff;
	[tilespmem:s0+$0xD0] =	vst v19  }
.LBB2_3:
0xc7: {  	v13 =	vld [tilespmem:s6+$0x30];
	s18 =	sadd.s32 $0x8, s18;
	[tilespmem:s0+$0xE0] =	vst v17  }
0xc8: {  	v14 =	vld [tilespmem:s6+$0xFFFFFFD0];
	p1 =	slt.u32 s18, $0x78;
	[tilespmem:s0+$0x100] =	vst v16  }
0xc9: {  	v16 =	vld [tilespmem:s6+$0xFFFFFFE0];
	[tilespmem:s0+$0x110] =	vst v15  }
0xca: {  	v15 =	vld [tilespmem:s6+$0xFFFFFFF0];
	[tilespmem:s0+$0x120] =	vst v18  }
0xcb: {  	v17 =	vld [tilespmem:s6+$0x0];
	[tilespmem:s0+$0x130] =	vst v5  }
0xcc: {  	v18 =	vld [tilespmem:s6+$0x10];
	v5 =	vshll.u32 v13, $0x3;
	[tilespmem:s0+$0x140] =	vst v12  }
0xcd: {  	v13 =	vand.u32 $0x7F, v13;
	v12 =	vshll.u32 v14, $0x3;
	v19 =	vld [tilespmem:s6+$0x20];
	v5 =	vand.u32 $0xFFFFFC00, v5  }
0xce: {  	v20 =	vld [tilespmem:s6+$0xFFFFFFC0];
	v12 =	vand.u32 $0xFFFFFC00, v12;
	v21 =	vshll.u32 v16, $0x3;
	v5 =	vor.u32 v13, v5  }
0xcf: {  	v13 =	vand.u32 $0x7F, v14;
	v14 =	vand.u32 $0xFFFFFC00, v21;
	v21 =	vshll.u32 v15, $0x3;
	v10 =	vld.idx.msk [tilespmem:v10+s19+$0x0], $0xffff  }
0xd0: {  	v16 =	vand.u32 $0x7F, v16;
	v21 =	vand.u32 $0xFFFFFC00, v21;
	v22 =	vshll.u32 v17, $0x3;
	v11 =	vld.idx.msk [tilespmem:v11+s19+$0x0], $0xffff  }
0xd1: {  	v15 =	vand.u32 $0x7F, v15;
	v22 =	vand.u32 $0xFFFFFC00, v22;
	v23 =	vshll.u32 v18, $0x3;
	v9 =	vld.idx.msk [tilespmem:v9+s19+$0x0], $0xffff  }
0xd2: {  	v17 =	vand.u32 $0x7F, v17;
	v23 =	vand.u32 $0xFFFFFC00, v23;
	v24 =	vshll.u32 v19, $0x3;
	v8 =	vld.idx.msk [tilespmem:v8+s19+$0x0], $0xffff  }
0xd3: {  	v25 =	vand.u32 $0x7F, v20;
	v20 =	vshll.u32 v20, $0x3;
	v24 =	vand.u32 $0xFFFFFC00, v24;
	v26 =	vld.idx.msk [tilespmem:v5+s19+$0x0], $0xffff  }
0xd4: {  	v18 =	vand.u32 $0x7F, v18;
	v19 =	vand.u32 $0x7F, v19;
	v20 =	vand.u32 $0xFFFFFC00, v20;
	v7 =	vld.idx.msk [tilespmem:v7+s19+$0x0], $0xffff  }
0xd5: {  	v27 =	vor.u32 v13, v12;
	v12 =	vor.u32 $0x80, v5;
	v25 =	vor.u32 v25, v20;
	v6 =	vld.idx.msk [tilespmem:v6+s19+$0x0], $0xffff;
	[tilespmem:s0+$0x150] =	vst v10  }
0xd6: {  	v28 =	vor.u32 v16, v14;
	v29 =	vor.u32 v15, v21;
	v30 =	vor.u32 v17, v22;
	[tilespmem:s0+$0x160] =	vst v11  }
0xd7: {  	v23 =	vor.u32 v18, v23;
	v24 =	vor.u32 v19, v24;
	v10 =	vor.u32 $0x80, v25;
	[tilespmem:s0+$0x180] =	vst v9;
	v4 =	vld.idx.msk [tilespmem:v4+s19+$0x0], $0xffff  }
0xd8: {  	v31 =	vor.u32 $0x80, v29;
	v11 =	vor.u32 $0x80, v28;
	v9 =	vor.u32 $0x80, v27;
	s0 =	sadd.s32 $0x400, s0;
	[tilespmem:s3+$0x190] =	vst v8;
	v3 =	vld.idx.msk [tilespmem:v3+s19+$0x0], $0xffff  }
0xd9: {  	v32 =	vor.u32 $0x80, v30;
	v33 =	vor.u32 $0x80, v23;
	v34 =	vor.u32 $0x80, v24;
	[tilespmem:s0+$0xFFFFFE70] =	vst v26;
	v2 =	vld.idx.msk [tilespmem:v2+s19+$0x0], $0xffff  }
0xda: {  	v35 =	vor.u32 $0x100, v27;
	v36 =	vor.u32 $0x100, v28;
	v26 =	vor.u32 $0x100, v25;
	v8 =	vld.idx.msk [tilespmem:v12+s19+$0x0], $0xffff;
	[tilespmem:s3+$0x1A0] =	vst v7  }
0xdb: {  	v37 =	vor.u32 $0x100, v29;
	v38 =	vor.u32 $0x100, v30;
	v39 =	vor.u32 $0x100, v23;
	v7 =	vld.idx.msk [tilespmem:v25+s19+$0x0], $0xffff;
	[tilespmem:s3+$0x1B0] =	vst v6  }
0xdc: {  	v41 =	vor.u32 $0x100, v24;
	v40 =	vor.u32 $0x180, v25;
	v12 =	vor.u32 $0x100, v5;
	v6 =	vld.idx.msk [tilespmem:v27+s19+$0x0], $0xffff  }
0xdd: {  	v42 =	vor.u32 $0x180, v27;
	v43 =	vor.u32 $0x180, v28;
	v44 =	vor.u32 $0x180, v29;
	v13 =	vld.idx.msk [tilespmem:v28+s19+$0x0], $0xffff;
	[tilespmem:s3+$0x1C0] =	vst v4  }
0xde: {  	v45 =	vor.u32 $0x180, v30;
	v46 =	vor.u32 $0x180, v23;
	v47 =	vor.u32 $0x180, v24;
	v4 =	vld.idx.msk [tilespmem:v29+s19+$0x0], $0xffff;
	[tilespmem:s3+$0x1D0] =	vst v3  }
0xdf: {  	v49 =	vor.u32 $0x200, v27;
	v50 =	vor.u32 $0x200, v28;
	v48 =	vor.u32 $0x200, v25;
	v3 =	vld.idx.msk [tilespmem:v30+s19+$0x0], $0xffff;
	[tilespmem:s3+$0x1E0] =	vst v2;
	s3 =	smov.u32 s0  }
0xe0: {  	v51 =	vor.u32 $0x200, v29;
	v52 =	vor.u32 $0x200, v30;
	v53 =	vor.u32 $0x200, v23;
	v2 =	vld.idx.msk [tilespmem:v23+s19+$0x0], $0xffff;
	[tilespmem:s0+$0xFFFFFEF0] =	vst v8  }
0xe1: {  	v20 =	vor.u32 $0x280, v27;
	v55 =	vor.u32 $0x200, v24;
	v54 =	vor.u32 $0x280, v25;
	[tilespmem:s0+$0xFFFFFE00] =	vst v7;
	v56 =	vld.idx.msk [tilespmem:v12+s19+$0x0], $0xffff  }
0xe2: {  	v22 =	vor.u32 $0x280, v28;
	v21 =	vor.u32 $0x280, v29;
	v17 =	vor.u32 $0x280, v30;
	[tilespmem:s0+$0xFFFFFE10] =	vst v6;
	v57 =	vld.idx.msk [tilespmem:v24+s19+$0x0], $0xffff  }
0xe3: {  	v59 =	vor.u32 $0x180, v5;
	v19 =	vor.u32 $0x280, v23;
	v18 =	vor.u32 $0x280, v24;
	v58 =	vld.idx.msk [tilespmem:v10+s19+$0x0], $0xffff;
	[tilespmem:s0+$0xFFFFFE20] =	vst v13  }
0xe4: {  	v15 =	vor.u32 $0x300, v27;
	v16 =	vor.u32 $0x300, v25;
	v12 =	vor.u32 $0x300, v28;
	v60 =	vld.idx.msk [tilespmem:v9+s19+$0x0], $0xffff;
	[tilespmem:s0+$0xFFFFFE30] =	vst v4  }
0xe5: {  	v14 =	vor.u32 $0x300, v29;
	v13 =	vor.u32 $0x300, v30;
	v10 =	vor.u32 $0x300, v23;
	v61 =	vld.idx.msk [tilespmem:v11+s19+$0x0], $0xffff;
	[tilespmem:s0+$0xFFFFFE40] =	vst v3  }
0xe6: {  	v8 =	vor.u32 $0x380, v27;
	v9 =	vor.u32 $0x380, v25;
	v11 =	vor.u32 $0x300, v24;
	v25 =	vld.idx.msk [tilespmem:v31+s19+$0x0], $0xffff;
	[tilespmem:s0+$0xFFFFFE50] =	vst v2  }
0xe7: {  	v7 =	vor.u32 $0x380, v28;
	v6 =	vor.u32 $0x380, v29;
	v4 =	vor.u32 $0x380, v30;
	v27 =	vld.idx.msk [tilespmem:v32+s19+$0x0], $0xffff;
	[tilespmem:s0+$0xFFFFFF70] =	vst v56  }
0xe8: {  	v3 =	vor.u32 $0x380, v23;
	v2 =	vor.u32 $0x380, v24;
	[tilespmem:s0+$0xFFFFFE60] =	vst v57;
	v23 =	vld.idx.msk [tilespmem:v59+s19+$0x0], $0xffff  }
0xe9: {  	[tilespmem:s0+$0xFFFFFE80] =	vst v58;
	v24 =	vld.idx.msk [tilespmem:v33+s19+$0x0], $0xffff  }
0xea: {  	v29 =	vor.u32 $0x200, v5;
	[tilespmem:s0+$0xFFFFFE90] =	vst v60;
	v28 =	vld.idx.msk [tilespmem:v34+s19+$0x0], $0xffff  }
0xeb: {  	v26 =	vld.idx.msk [tilespmem:v26+s19+$0x0], $0xffff;
	[tilespmem:s0+$0xFFFFFEA0] =	vst v61  }
0xec: {  	v30 =	vld.idx.msk [tilespmem:v35+s19+$0x0], $0xffff;
	[tilespmem:s0+$0xFFFFFEB0] =	vst v25  }
0xed: {  	v25 =	vld.idx.msk [tilespmem:v36+s19+$0x0], $0xffff;
	[tilespmem:s0+$0xFFFFFEC0] =	vst v27  }
0xee: {  	v27 =	vld.idx.msk [tilespmem:v37+s19+$0x0], $0xffff;
	[tilespmem:s0+$0xFFFFFFF0] =	vst v23  }
0xef: {  	[tilespmem:s0+$0xFFFFFED0] =	vst v24;
	v23 =	vld.idx.msk [tilespmem:v29+s19+$0x0], $0xffff  }
0xf0: {  	v24 =	vld.idx.msk [tilespmem:v38+s19+$0x0], $0xffff;
	[tilespmem:s0+$0xFFFFFEE0] =	vst v28  }
0xf1: {  	v28 =	vor.u32 $0x280, v5;
	[tilespmem:s0+$0xFFFFFF00] =	vst v26;
	v26 =	vld.idx.msk [tilespmem:v39+s19+$0x0], $0xffff  }
0xf2: {  	[tilespmem:s0+$0xFFFFFF10] =	vst v30;
	v29 =	vld.idx.msk [tilespmem:v41+s19+$0x0], $0xffff  }
0xf3: {  	v30 =	vld.idx.msk [tilespmem:v40+s19+$0x0], $0xffff;
	[tilespmem:s0+$0xFFFFFF20] =	vst v25  }
0xf4: {  	v25 =	vld.idx.msk [tilespmem:v42+s19+$0x0], $0xffff;
	[tilespmem:s0+$0xFFFFFF30] =	vst v27  }
0xf5: {  	v27 =	vld.idx.msk [tilespmem:v43+s19+$0x0], $0xffff;
	[tilespmem:s0+$0x70] =	vst v23  }
0xf6: {  	[tilespmem:s0+$0xFFFFFF40] =	vst v24;
	v23 =	vld.idx.msk [tilespmem:v28+s19+$0x0], $0xffff  }
0xf7: {  	v24 =	vld.idx.msk [tilespmem:v44+s19+$0x0], $0xffff;
	[tilespmem:s0+$0xFFFFFF50] =	vst v26  }
0xf8: {  	v28 =	vor.u32 $0x300, v5;
	v26 =	vld.idx.msk [tilespmem:v45+s19+$0x0], $0xffff;
	[tilespmem:s0+$0xFFFFFF60] =	vst v29  }
0xf9: {  	[tilespmem:s0+$0xFFFFFF80] =	vst v30;
	v29 =	vld.idx.msk [tilespmem:v46+s19+$0x0], $0xffff  }
0xfa: {  	[tilespmem:s0+$0xFFFFFF90] =	vst v25;
	v25 =	vld.idx.msk [tilespmem:v47+s19+$0x0], $0xffff  }
0xfb: {  	v30 =	vld.idx.msk [tilespmem:v48+s19+$0x0], $0xffff;
	[tilespmem:s0+$0xFFFFFFA0] =	vst v27  }
0xfc: {  	v27 =	vld.idx.msk [tilespmem:v49+s19+$0x0], $0xffff;
	[tilespmem:s0+$0xF0] =	vst v23  }
0xfd: {  	[tilespmem:s0+$0xFFFFFFB0] =	vst v24;
	v23 =	vld.idx.msk [tilespmem:v28+s19+$0x0], $0xffff  }
0xfe: {  	v24 =	vld.idx.msk [tilespmem:v50+s19+$0x0], $0xffff;
	[tilespmem:s0+$0xFFFFFFC0] =	vst v26  }
0xff: {  	v5 =	vor.u32 $0x380, v5;
	v26 =	vld.idx.msk [tilespmem:v51+s19+$0x0], $0xffff;
	[tilespmem:s0+$0xFFFFFFD0] =	vst v29  }
0x100: {  	v28 =	vld.idx.msk [tilespmem:v52+s19+$0x0], $0xffff;
	[tilespmem:s0+$0xFFFFFFE0] =	vst v25  }
0x101: {  	[tilespmem:s0+$0x0] =	vst v30;
	v25 =	vld.idx.msk [tilespmem:v53+s19+$0x0], $0xffff  }
0x102: {  	[tilespmem:s0+$0x10] =	vst v27;
	v27 =	vld.idx.msk [tilespmem:v55+s19+$0x0], $0xffff  }
0x103: {  	v29 =	vld.idx.msk [tilespmem:v54+s19+$0x0], $0xffff;
	[tilespmem:s0+$0x170] =	vst v23  }
0x104: {  	[tilespmem:s0+$0x20] =	vst v24;
	v5 =	vld.idx.msk [tilespmem:v5+s19+$0x0], $0xffff  }
0x105: {  	v20 =	vld.idx.msk [tilespmem:v20+s19+$0x0], $0xffff;
	[tilespmem:s0+$0x30] =	vst v26  }
0x106: {  	v22 =	vld.idx.msk [tilespmem:v22+s19+$0x0], $0xffff;
	[tilespmem:s0+$0x40] =	vst v28  }
0x107: {  	v21 =	vld.idx.msk [tilespmem:v21+s19+$0x0], $0xffff;
	[tilespmem:s0+$0x50] =	vst v25  }
0x108: {  	v23 =	vld.idx.msk [tilespmem:v17+s19+$0x0], $0xffff;
	[tilespmem:s0+$0x60] =	vst v27  }
0x109: {  	[tilespmem:s0+$0x80] =	vst v29;
	v19 =	vld.idx.msk [tilespmem:v19+s19+$0x0], $0xffff  }
0x10a: {  	v17 =	vld.idx.msk [tilespmem:v18+s19+$0x0], $0xffff;
	[tilespmem:s0+$0x1F0] =	vst v5  }
.Ltmp2:
0x10b: {  	v16 =	vld.idx.msk [tilespmem:v16+s19+$0x0], $0xffff;
	[tilespmem:s0+$0x90] =	vst v20;
	(pc) =	sbr.rel @p1 .LBB2_3-.Ltmp2, $4  }
0x10c: {  	v15 =	vld.idx.msk [tilespmem:v15+s19+$0x0], $0xffff;
	[tilespmem:s0+$0xA0] =	vst v22  }
0x10d: {  	v18 =	vld.idx.msk [tilespmem:v12+s19+$0x0], $0xffff;
	[tilespmem:s0+$0xB0] =	vst v21  }
0x10e: {  	v5 =	vld.idx.msk [tilespmem:v14+s19+$0x0], $0xffff;
	[tilespmem:s0+$0xC0] =	vst v23  }
0x10f: {  	s6 =	sadd.s32 $0x80, s6;
	v12 =	vld.idx.msk [tilespmem:v13+s19+$0x0], $0xffff;
	[tilespmem:s0+$0xD0] =	vst v19  }
0x110: {  	_ =	sdelay $0x2  }
0x111: {  	[tilespmem:s0+$0xE0] =	vst v17  }
0x112: {  	[tilespmem:s0+$0x100] =	vst v16;
	v10 =	vld.idx.msk [tilespmem:v10+s19+$0x0], $0xffff  }
0x113: {  	[tilespmem:s0+$0x110] =	vst v15;
	v11 =	vld.idx.msk [tilespmem:v11+s19+$0x0], $0xffff  }
0x114: {  	v9 =	vld.idx.msk [tilespmem:v9+s19+$0x0], $0xffff;
	[tilespmem:s0+$0x120] =	vst v18  }
0x115: {  	v63 =	vld.idx.msk [tilespmem:v8+s19+$0x0], $0xffff;
	[tilespmem:s0+$0x130] =	vst v5  }
0x116: {  	v7 =	vld.idx.msk [tilespmem:v7+s19+$0x0], $0xffff;
	[tilespmem:s0+$0x140] =	vst v12  }
0x117: {  	v6 =	vld.idx.msk [tilespmem:v6+s19+$0x0], $0xffff;
	[tilespmem:s0+$0x150] =	vst v10  }
0x118: {  	v4 =	vld.idx.msk [tilespmem:v4+s19+$0x0], $0xffff;
	[tilespmem:s0+$0x160] =	vst v11  }
0x119: {  	[tilespmem:s0+$0x180] =	vst v9;
	v3 =	vld.idx.msk [tilespmem:v3+s19+$0x0], $0xffff  }
0x11a: {  	[tilespmem:s3+$0x190] =	vst v63;
	v2 =	vld.idx.msk [tilespmem:v2+s19+$0x0], $0xffff  }
0x11b: {  	p1 =	sne.s32 s4, $0xF;
	[tilespmem:s3+$0x1A0] =	vst v7  }
.Ltmp3:
0x11c: {  	[tilespmem:s3+$0x1B0] =	vst v6;
	(pc) =	sbr.rel @p1 .LBB2_6-.Ltmp3, $4  }
0x11d: {  	[tilespmem:s3+$0x1C0] =	vst v4  }
0x11e: {  	s30 =	sshll.u32 s4, $0xD;
	[tilespmem:s3+$0x1D0] =	vst v3  }
0x11f: {  	s0 =	sadd.s32 s30, s15;
	[tilespmem:s3+$0x1E0] =	vst v2  }
0x120: {  	[hbm4b:s0+s5] =	stream.linear.scatter [tilespmem:s20], [sflag:$0x5], $0x4000, $0x38;
	[tilespmem:$0x1A800] =	vst v63  }
.Ltmp4:
0x121: {  	(pc) =	sbr.rel .LBB2_7-.Ltmp4, $4  }
0x122: {  	_ = 	snop  }
0x123: {  	_ =	swait.ge [sflag:s21], $0x4000  }
0x124: {  	[sflag:s21] =	ssyncset.done $0x0  }
0x125: {  	[sflag:s21] =	ssyncadd.s32 $0xFFFFC000  }
.LBB2_6:
0x126: {  	s0 =	sshrl.u32 s2, $0x2  }
0x127: {  	v2 =	vld.msk [tilespmem:s0+$0x200], $0xff;
	_ =	sdelay $0x4  }
0x128: {  	v3 =	vshll.u32 v2, $0x4  }
0x129: {  	v2 =	vand.u32 $0x7, v2;
	v3 =	vand.u32 $0xFFFFFF80, v3  }
0x12a: {  	v2 =	vor.u32 v2, v3  }
0x12b: {  	v2 =	vperm.xlane v2, v0;
	_ =	sdelay $0x1  }
0x12c: {  	v2 =	vadd.s32 v1, v2;
	_ =	sdelay $0x4  }
0x12d: {  	[tilespmem:s19], [sflag:$0x1] =	stream.indirect_vreg.gather [hbm4b:s1+s5], $0x80, v2, vm0, $0xb8;
	[tilespmem:$0x1A800] =	vst v63  }
0x12e: {  	s18 =	simm.s32 $0x3000  }
0x12f: {  	[tilespmem:s18], [sflag:$0x1] =	stream.indirect_vreg.gather [hbm4b:s8+s5], $0x80, v2, vm0, $0xb8;
	[tilespmem:$0x1A800] =	vst v63  }
0x130: {  	s30 =	simm.s32 $0x3800  }
0x131: {  	[tilespmem:s30], [sflag:$0x1] =	stream.indirect_vreg.gather [hbm4b:s9+s5], $0x80, v2, vm0, $0xb8;
	[tilespmem:$0x1A800] =	vst v63  }
0x132: {  	s3 =	simm.s32 $0x4000  }
0x133: {  	[tilespmem:s3], [sflag:$0x1] =	stream.indirect_vreg.gather [hbm4b:s10+s5], $0x80, v2, vm0, $0xb8;
	[tilespmem:$0x1A800] =	vst v63  }
0x134: {  	s6 =	simm.s32 $0x4800  }
0x135: {  	[tilespmem:s6], [sflag:$0x1] =	stream.indirect_vreg.gather [hbm4b:s11+s5], $0x80, v2, vm0, $0xb8;
	[tilespmem:$0x1A800] =	vst v63  }
0x136: {  	s16 =	simm.s32 $0x5000  }
0x137: {  	[tilespmem:s16], [sflag:$0x1] =	stream.indirect_vreg.gather [hbm4b:s12+s5], $0x80, v2, vm0, $0xb8;
	[tilespmem:$0x1A800] =	vst v63  }
0x138: {  	s18 =	simm.s32 $0x5800  }
0x139: {  	[tilespmem:s18], [sflag:$0x1] =	stream.indirect_vreg.gather [hbm4b:s13+s5], $0x80, v2, vm0, $0xb8;
	[tilespmem:$0x1A800] =	vst v63  }
.Ltmp5:
0x13a: {  	s30 =	simm.s32 $0x6000;
	(pc) =	sbr.rel @p0 .LBB2_8-.Ltmp5, $4  }
0x13b: {  	[tilespmem:s30], [sflag:$0x1] =	stream.indirect_vreg.gather [hbm4b:s14+s5], $0x80, v2, vm0, $0xb8;
	[tilespmem:$0x1A800] =	vst v63  }
0x13c: {  	_ =	swait.ge [sflag:s21], $0x4000  }
0x13d: {  	[sflag:s21] =	ssyncset.done $0x0  }
0x13e: {  	[sflag:s21] =	ssyncadd.s32 $0xFFFFC000  }
.LBB2_7:
0x13f: {  	_ =	swait.ge [sflag:s22], $0x4000  }
0x140: {  	[sflag:s22] =	ssyncset.done $0x0  }
0x141: {  	[sflag:s22] =	ssyncadd.s32 $0xFFFFC000  }
.LBB2_8:
0x142: {  	s0 =	simm.s32 $0x2040  }
0x143: {  	v2 =	vld [tilespmem:s0+$0x30];
	_ =	sdelay $0x3  }
0x144: {  	v3 =	vld [tilespmem:s0+$0xFFFFFFD0]  }
0x145: {  	v4 =	vshll.u32 v2, $0x3  }
0x146: {  	v5 =	vld [tilespmem:s0+$0xFFFFFFE0];
	v2 =	vand.u32 $0x7F, v2;
	v4 =	vand.u32 $0xFFFFFC00, v4  }
0x147: {  	v7 =	vld [tilespmem:s0+$0xFFFFFFC0];
	v6 =	vor.u32 v2, v4;
	_ =	sdelay $0x1  }
0x148: {  	v4 =	vld [tilespmem:s0+$0xFFFFFFF0];
	v2 =	vshll.u32 v3, $0x3  }
0x149: {  	v9 =	vld [tilespmem:s0+$0x10];
	v3 =	vand.u32 $0x7F, v3;
	v10 =	vand.u32 $0xFFFFFC00, v2  }
0x14a: {  	v8 =	vld [tilespmem:s0+$0x0];
	v2 =	vshll.u32 v5, $0x3;
	v3 =	vor.u32 v3, v10  }
0x14b: {  	v13 =	vor.u32 $0x80, v6;
	v11 =	vand.u32 $0xFFFFFC00, v2;
	v2 =	vshll.u32 v7, $0x3;
	v12 =	vld.idx.msk [tilespmem:v6+s28+$0x0], $0xffff  }
0x14c: {  	v14 =	vld [tilespmem:s0+$0x20];
	v5 =	vand.u32 $0x7F, v5;
	v7 =	vand.u32 $0x7F, v7;
	v2 =	vand.u32 $0xFFFFFC00, v2  }
0x14d: {  	v2 =	vor.u32 v7, v2;
	v15 =	vshll.u32 v4, $0x3;
	v10 =	vand.u32 $0x7F, v4  }
0x14e: {  	v4 =	vor.u32 v5, v11;
	v11 =	vshll.u32 v9, $0x3;
	v7 =	vand.u32 $0xFFFFFC00, v15  }
0x14f: {  	s0 =	simm.s32 $0x16A00;
	v15 =	vshll.u32 v8, $0x3;
	v5 =	vor.u32 v10, v7;
	v7 =	vand.u32 $0xFFFFFC00, v11;
	v11 =	vld.idx.msk [tilespmem:v3+s28+$0x0], $0xffff  }
0x150: {  	v17 =	vor.u32 $0x80, v3;
	v8 =	vand.u32 $0x7F, v8;
	v15 =	vand.u32 $0xFFFFFC00, v15;
	[tilespmem:s0+$0xFFFFFE70] =	vst v12  }
0x151: {  	v9 =	vand.u32 $0x7F, v9;
	v10 =	vshll.u32 v14, $0x3;
	v12 =	vor.u32 v8, v15;
	v8 =	vld.idx.msk [tilespmem:v13+s28+$0x0], $0xffff  }
0x152: {  	v13 =	vor.u32 v9, v7;
	v7 =	vld.idx.msk [tilespmem:v2+s28+$0x0], $0xffff;
	v9 =	vand.u32 $0xFFFFFC00, v10;
	v10 =	vand.u32 $0x7F, v14  }
0x153: {  	v15 =	vor.u32 $0x100, v6;
	v14 =	vor.u32 v10, v9;
	v9 =	vld.idx.msk [tilespmem:v4+s28+$0x0], $0xffff  }
0x154: {  	v10 =	vor.u32 $0x80, v2;
	v16 =	vld.idx.msk [tilespmem:v5+s28+$0x0], $0xffff;
	[tilespmem:s0+$0xFFFFFE10] =	vst v11  }
0x155: {  	v17 =	vld.idx.msk [tilespmem:v17+s28+$0x0], $0xffff  }
0x156: {  	v19 =	vor.u32 $0x80, v4;
	v18 =	vld.idx.msk [tilespmem:v12+s28+$0x0], $0xffff  }
0x157: {  	v20 =	vld.idx.msk [tilespmem:v13+s28+$0x0], $0xffff;
	[tilespmem:s0+$0xFFFFFEF0] =	vst v8;
	v8 =	vor.u32 $0x80, v5  }
0x158: {  	[tilespmem:s0+$0xFFFFFE00] =	vst v7;
	v7 =	vld.idx.msk [tilespmem:v15+s28+$0x0], $0xffff;
	v15 =	vor.u32 $0x80, v12  }
0x159: {  	v21 =	vor.u32 $0x80, v13;
	v10 =	vld.idx.msk [tilespmem:v10+s28+$0x0], $0xffff;
	[tilespmem:s0+$0xFFFFFE20] =	vst v9  }
0x15a: {  	v11 =	vld.idx.msk [tilespmem:v14+s28+$0x0], $0xffff;
	v9 =	vor.u32 $0x180, v6;
	[tilespmem:s0+$0xFFFFFE30] =	vst v16  }
0x15b: {  	v16 =	vor.u32 $0x80, v14;
	v19 =	vld.idx.msk [tilespmem:v19+s28+$0x0], $0xffff;
	[tilespmem:s0+$0xFFFFFE40] =	vst v18  }
0x15c: {  	v18 =	vor.u32 $0x100, v2;
	v8 =	vld.idx.msk [tilespmem:v8+s28+$0x0], $0xffff;
	[tilespmem:s0+$0xFFFFFE50] =	vst v20  }
0x15d: {  	v20 =	vor.u32 $0x100, v3;
	v15 =	vld.idx.msk [tilespmem:v15+s28+$0x0], $0xffff;
	[tilespmem:s0+$0xFFFFFF70] =	vst v7  }
0x15e: {  	v7 =	vor.u32 $0x100, v4;
	[tilespmem:s0+$0xFFFFFE80] =	vst v10;
	v10 =	vld.idx.msk [tilespmem:v21+s28+$0x0], $0xffff  }
0x15f: {  	[tilespmem:s0+$0xFFFFFE60] =	vst v11;
	v11 =	vor.u32 $0x100, v5;
	v9 =	vld.idx.msk [tilespmem:v9+s28+$0x0], $0xffff  }
0x160: {  	v61 =	vor.u32 $0x100, v12;
	[tilespmem:s0+$0xFFFFFE90] =	vst v17;
	v16 =	vld.idx.msk [tilespmem:v16+s28+$0x0], $0xffff  }
0x161: {  	[tilespmem:s0+$0xFFFFFEA0] =	vst v19;
	v19 =	vor.u32 $0x100, v13;
	v18 =	vld.idx.msk [tilespmem:v18+s28+$0x0], $0xffff  }
0x162: {  	v17 =	vor.u32 $0x200, v6;
	v20 =	vld.idx.msk [tilespmem:v20+s28+$0x0], $0xffff;
	[tilespmem:s0+$0xFFFFFEB0] =	vst v8  }
0x163: {  	v8 =	vor.u32 $0x100, v14;
	v7 =	vld.idx.msk [tilespmem:v7+s28+$0x0], $0xffff;
	[tilespmem:s0+$0xFFFFFEC0] =	vst v15  }
0x164: {  	v15 =	vor.u32 $0x180, v2;
	v11 =	vld.idx.msk [tilespmem:v11+s28+$0x0], $0xffff;
	[tilespmem:s0+$0xFFFFFED0] =	vst v10  }
0x165: {  	[tilespmem:s0+$0xFFFFFFF0] =	vst v9;
	v9 =	vor.u32 $0x180, v3;
	v21 =	vld.idx.msk [tilespmem:v61+s28+$0x0], $0xffff  }
0x166: {  	[tilespmem:s0+$0xFFFFFEE0] =	vst v16;
	v16 =	vld.idx.msk [tilespmem:v19+s28+$0x0], $0xffff;
	v19 =	vor.u32 $0x180, v5  }
0x167: {  	v10 =	vld.idx.msk [tilespmem:v17+s28+$0x0], $0xffff;
	v17 =	vor.u32 $0x180, v4;
	[tilespmem:s0+$0xFFFFFF00] =	vst v18  }
0x168: {  	v18 =	vor.u32 $0x280, v6;
	[tilespmem:s0+$0xFFFFFF10] =	vst v20;
	v8 =	vld.idx.msk [tilespmem:v8+s28+$0x0], $0xffff  }
0x169: {  	v20 =	vor.u32 $0x180, v12;
	v15 =	vld.idx.msk [tilespmem:v15+s28+$0x0], $0xffff;
	[tilespmem:s0+$0xFFFFFF20] =	vst v7  }
0x16a: {  	v7 =	vor.u32 $0x180, v13;
	[tilespmem:s0+$0xFFFFFF30] =	vst v11;
	v9 =	vld.idx.msk [tilespmem:v9+s28+$0x0], $0xffff  }
0x16b: {  	v11 =	vor.u32 $0x180, v14;
	[tilespmem:s0+$0xFFFFFF40] =	vst v21;
	v19 =	vld.idx.msk [tilespmem:v19+s28+$0x0], $0xffff  }
0x16c: {  	v17 =	vld.idx.msk [tilespmem:v17+s28+$0x0], $0xffff;
	[tilespmem:s0+$0x70] =	vst v10;
	v10 =	vor.u32 $0x200, v2  }
0x16d: {  	v62 =	vor.u32 $0x200, v3;
	[tilespmem:s0+$0xFFFFFF50] =	vst v16;
	v18 =	vld.idx.msk [tilespmem:v18+s28+$0x0], $0xffff  }
0x16e: {  	v16 =	vld.idx.msk [tilespmem:v20+s28+$0x0], $0xffff;
	[tilespmem:s0+$0xFFFFFF60] =	vst v8;
	v8 =	vor.u32 $0x300, v6  }
0x16f: {  	v20 =	vor.u32 $0x200, v4;
	[tilespmem:s0+$0xFFFFFF80] =	vst v15;
	v7 =	vld.idx.msk [tilespmem:v7+s28+$0x0], $0xffff  }
0x170: {  	v15 =	vor.u32 $0x200, v5;
	[tilespmem:s0+$0xFFFFFF90] =	vst v9;
	v9 =	vld.idx.msk [tilespmem:v11+s28+$0x0], $0xffff  }
0x171: {  	v11 =	vor.u32 $0x200, v12;
	v10 =	vld.idx.msk [tilespmem:v10+s28+$0x0], $0xffff;
	[tilespmem:s0+$0xFFFFFFA0] =	vst v17  }
0x172: {  	v17 =	vor.u32 $0x200, v13;
	v21 =	vld.idx.msk [tilespmem:v62+s28+$0x0], $0xffff;
	[tilespmem:s0+$0xF0] =	vst v18  }
0x173: {  	[tilespmem:s0+$0xFFFFFFB0] =	vst v19;
	v18 =	vor.u32 $0x200, v14;
	v8 =	vld.idx.msk [tilespmem:v8+s28+$0x0], $0xffff  }
0x174: {  	v19 =	vor.u32 $0x280, v2;
	v20 =	vld.idx.msk [tilespmem:v20+s28+$0x0], $0xffff;
	[tilespmem:s0+$0xFFFFFFC0] =	vst v16  }
0x175: {  	v6 =	vor.u32 $0x380, v6;
	v15 =	vld.idx.msk [tilespmem:v15+s28+$0x0], $0xffff;
	[tilespmem:s0+$0xFFFFFFD0] =	vst v7  }
0x176: {  	v7 =	vor.u32 $0x280, v3;
	v11 =	vld.idx.msk [tilespmem:v11+s28+$0x0], $0xffff;
	[tilespmem:s0+$0xFFFFFFE0] =	vst v9  }
0x177: {  	v9 =	vor.u32 $0x280, v4;
	[tilespmem:s0+$0x0] =	vst v10;
	v10 =	vld.idx.msk [tilespmem:v17+s28+$0x0], $0xffff  }
0x178: {  	v16 =	vor.u32 $0x280, v5;
	[tilespmem:s0+$0x10] =	vst v21;
	v17 =	vld.idx.msk [tilespmem:v18+s28+$0x0], $0xffff  }
0x179: {  	v18 =	vor.u32 $0x280, v12;
	v19 =	vld.idx.msk [tilespmem:v19+s28+$0x0], $0xffff;
	[tilespmem:s0+$0x170] =	vst v8  }
0x17a: {  	v8 =	vor.u32 $0x280, v13;
	[tilespmem:s0+$0x20] =	vst v20;
	v6 =	vld.idx.msk [tilespmem:v6+s28+$0x0], $0xffff  }
0x17b: {  	v20 =	vor.u32 $0x280, v14;
	v7 =	vld.idx.msk [tilespmem:v7+s28+$0x0], $0xffff;
	[tilespmem:s0+$0x30] =	vst v15  }
0x17c: {  	v15 =	vor.u32 $0x300, v2;
	v9 =	vld.idx.msk [tilespmem:v9+s28+$0x0], $0xffff;
	[tilespmem:s0+$0x40] =	vst v11  }
0x17d: {  	v11 =	vor.u32 $0x300, v3;
	v63 =	vld.idx.msk [tilespmem:v16+s28+$0x0], $0xffff;
	[tilespmem:s0+$0x50] =	vst v10  }
0x17e: {  	v22 =	vor.u32 $0x300, v4;
	v23 =	vld.idx.msk [tilespmem:v18+s28+$0x0], $0xffff;
	[tilespmem:s0+$0x60] =	vst v17  }
0x17f: {  	v24 =	vor.u32 $0x300, v5;
	[tilespmem:s0+$0x80] =	vst v19;
	v19 =	vld.idx.msk [tilespmem:v8+s28+$0x0], $0xffff  }
0x180: {  	v25 =	vor.u32 $0x300, v12;
	v17 =	vld.idx.msk [tilespmem:v20+s28+$0x0], $0xffff;
	[tilespmem:s0+$0x1F0] =	vst v6  }
0x181: {  	v16 =	vld.idx.msk [tilespmem:v15+s28+$0x0], $0xffff;
	[tilespmem:s0+$0x90] =	vst v7  }
0x182: {  	v15 =	vld.idx.msk [tilespmem:v11+s28+$0x0], $0xffff;
	[tilespmem:s0+$0xA0] =	vst v9  }
0x183: {  	v10 =	vor.u32 $0x300, v13;
	v8 =	vor.u32 $0x380, v3;
	v3 =	vor.u32 $0x380, v13;
	[tilespmem:s0+$0xB0] =	vst v63;
	v18 =	vld.idx.msk [tilespmem:v22+s28+$0x0], $0xffff  }
0x184: {  	v7 =	vor.u32 $0x380, v4;
	v6 =	vor.u32 $0x380, v5;
	v4 =	vor.u32 $0x380, v12;
	v5 =	vld.idx.msk [tilespmem:v24+s28+$0x0], $0xffff;
	[tilespmem:s0+$0xC0] =	vst v23  }
0x185: {  	s18 =	simm.s32 $0x0;
	s6 =	simm.s32 $0x20C0;
	s3 =	simm.s32 $0x16A00;
	v9 =	vor.u32 $0x380, v2;
	v11 =	vor.u32 $0x300, v14;
	v2 =	vor.u32 $0x380, v14;
	v12 =	vld.idx.msk [tilespmem:v25+s28+$0x0], $0xffff;
	[tilespmem:s0+$0xD0] =	vst v19  }
.LBB2_9:
0x186: {  	v13 =	vld [tilespmem:s6+$0x30];
	s18 =	sadd.s32 $0x8, s18;
	[tilespmem:s0+$0xE0] =	vst v17  }
0x187: {  	v14 =	vld [tilespmem:s6+$0xFFFFFFD0];
	p0 =	slt.u32 s18, $0x78;
	[tilespmem:s0+$0x100] =	vst v16  }
0x188: {  	v16 =	vld [tilespmem:s6+$0xFFFFFFE0];
	[tilespmem:s0+$0x110] =	vst v15  }
0x189: {  	v15 =	vld [tilespmem:s6+$0xFFFFFFF0];
	[tilespmem:s0+$0x120] =	vst v18  }
0x18a: {  	v17 =	vld [tilespmem:s6+$0x0];
	[tilespmem:s0+$0x130] =	vst v5  }
0x18b: {  	v18 =	vld [tilespmem:s6+$0x10];
	v5 =	vshll.u32 v13, $0x3;
	[tilespmem:s0+$0x140] =	vst v12  }
0x18c: {  	v13 =	vand.u32 $0x7F, v13;
	v12 =	vshll.u32 v14, $0x3;
	v19 =	vld [tilespmem:s6+$0x20];
	v5 =	vand.u32 $0xFFFFFC00, v5  }
0x18d: {  	v20 =	vld [tilespmem:s6+$0xFFFFFFC0];
	v12 =	vand.u32 $0xFFFFFC00, v12;
	v21 =	vshll.u32 v16, $0x3;
	v5 =	vor.u32 v13, v5  }
0x18e: {  	v13 =	vand.u32 $0x7F, v14;
	v14 =	vand.u32 $0xFFFFFC00, v21;
	v21 =	vshll.u32 v15, $0x3;
	v10 =	vld.idx.msk [tilespmem:v10+s28+$0x0], $0xffff  }
0x18f: {  	v16 =	vand.u32 $0x7F, v16;
	v21 =	vand.u32 $0xFFFFFC00, v21;
	v22 =	vshll.u32 v17, $0x3;
	v11 =	vld.idx.msk [tilespmem:v11+s28+$0x0], $0xffff  }
0x190: {  	v15 =	vand.u32 $0x7F, v15;
	v22 =	vand.u32 $0xFFFFFC00, v22;
	v23 =	vshll.u32 v18, $0x3;
	v9 =	vld.idx.msk [tilespmem:v9+s28+$0x0], $0xffff  }
0x191: {  	v17 =	vand.u32 $0x7F, v17;
	v23 =	vand.u32 $0xFFFFFC00, v23;
	v24 =	vshll.u32 v19, $0x3;
	v8 =	vld.idx.msk [tilespmem:v8+s28+$0x0], $0xffff  }
0x192: {  	v25 =	vand.u32 $0x7F, v20;
	v20 =	vshll.u32 v20, $0x3;
	v24 =	vand.u32 $0xFFFFFC00, v24;
	v26 =	vld.idx.msk [tilespmem:v5+s28+$0x0], $0xffff  }
0x193: {  	v18 =	vand.u32 $0x7F, v18;
	v19 =	vand.u32 $0x7F, v19;
	v20 =	vand.u32 $0xFFFFFC00, v20;
	v7 =	vld.idx.msk [tilespmem:v7+s28+$0x0], $0xffff  }
0x194: {  	v27 =	vor.u32 v13, v12;
	v12 =	vor.u32 $0x80, v5;
	v25 =	vor.u32 v25, v20;
	v6 =	vld.idx.msk [tilespmem:v6+s28+$0x0], $0xffff;
	[tilespmem:s0+$0x150] =	vst v10  }
0x195: {  	v28 =	vor.u32 v16, v14;
	v29 =	vor.u32 v15, v21;
	v30 =	vor.u32 v17, v22;
	[tilespmem:s0+$0x160] =	vst v11  }
0x196: {  	v23 =	vor.u32 v18, v23;
	v24 =	vor.u32 v19, v24;
	v10 =	vor.u32 $0x80, v25;
	[tilespmem:s0+$0x180] =	vst v9;
	v4 =	vld.idx.msk [tilespmem:v4+s28+$0x0], $0xffff  }
0x197: {  	v31 =	vor.u32 $0x80, v29;
	v11 =	vor.u32 $0x80, v28;
	v9 =	vor.u32 $0x80, v27;
	s0 =	sadd.s32 $0x400, s0;
	[tilespmem:s3+$0x190] =	vst v8;
	v3 =	vld.idx.msk [tilespmem:v3+s28+$0x0], $0xffff  }
0x198: {  	v32 =	vor.u32 $0x80, v30;
	v33 =	vor.u32 $0x80, v23;
	v34 =	vor.u32 $0x80, v24;
	[tilespmem:s0+$0xFFFFFE70] =	vst v26;
	v2 =	vld.idx.msk [tilespmem:v2+s28+$0x0], $0xffff  }
0x199: {  	v35 =	vor.u32 $0x100, v27;
	v36 =	vor.u32 $0x100, v28;
	v26 =	vor.u32 $0x100, v25;
	v8 =	vld.idx.msk [tilespmem:v12+s28+$0x0], $0xffff;
	[tilespmem:s3+$0x1A0] =	vst v7  }
0x19a: {  	v37 =	vor.u32 $0x100, v29;
	v38 =	vor.u32 $0x100, v30;
	v39 =	vor.u32 $0x100, v23;
	v7 =	vld.idx.msk [tilespmem:v25+s28+$0x0], $0xffff;
	[tilespmem:s3+$0x1B0] =	vst v6  }
0x19b: {  	v41 =	vor.u32 $0x100, v24;
	v40 =	vor.u32 $0x180, v25;
	v12 =	vor.u32 $0x100, v5;
	v6 =	vld.idx.msk [tilespmem:v27+s28+$0x0], $0xffff  }
0x19c: {  	v42 =	vor.u32 $0x180, v27;
	v43 =	vor.u32 $0x180, v28;
	v44 =	vor.u32 $0x180, v29;
	v13 =	vld.idx.msk [tilespmem:v28+s28+$0x0], $0xffff;
	[tilespmem:s3+$0x1C0] =	vst v4  }
0x19d: {  	v45 =	vor.u32 $0x180, v30;
	v46 =	vor.u32 $0x180, v23;
	v47 =	vor.u32 $0x180, v24;
	v4 =	vld.idx.msk [tilespmem:v29+s28+$0x0], $0xffff;
	[tilespmem:s3+$0x1D0] =	vst v3  }
0x19e: {  	v49 =	vor.u32 $0x200, v27;
	v50 =	vor.u32 $0x200, v28;
	v48 =	vor.u32 $0x200, v25;
	v3 =	vld.idx.msk [tilespmem:v30+s28+$0x0], $0xffff;
	[tilespmem:s3+$0x1E0] =	vst v2;
	s3 =	smov.u32 s0  }
0x19f: {  	v51 =	vor.u32 $0x200, v29;
	v52 =	vor.u32 $0x200, v30;
	v53 =	vor.u32 $0x200, v23;
	v2 =	vld.idx.msk [tilespmem:v23+s28+$0x0], $0xffff;
	[tilespmem:s0+$0xFFFFFEF0] =	vst v8  }
0x1a0: {  	v20 =	vor.u32 $0x280, v27;
	v55 =	vor.u32 $0x200, v24;
	v54 =	vor.u32 $0x280, v25;
	[tilespmem:s0+$0xFFFFFE00] =	vst v7;
	v56 =	vld.idx.msk [tilespmem:v12+s28+$0x0], $0xffff  }
0x1a1: {  	v22 =	vor.u32 $0x280, v28;
	v21 =	vor.u32 $0x280, v29;
	v17 =	vor.u32 $0x280, v30;
	[tilespmem:s0+$0xFFFFFE10] =	vst v6;
	v57 =	vld.idx.msk [tilespmem:v24+s28+$0x0], $0xffff  }
0x1a2: {  	v59 =	vor.u32 $0x180, v5;
	v19 =	vor.u32 $0x280, v23;
	v18 =	vor.u32 $0x280, v24;
	v58 =	vld.idx.msk [tilespmem:v10+s28+$0x0], $0xffff;
	[tilespmem:s0+$0xFFFFFE20] =	vst v13  }
0x1a3: {  	v15 =	vor.u32 $0x300, v27;
	v16 =	vor.u32 $0x300, v25;
	v12 =	vor.u32 $0x300, v28;
	v60 =	vld.idx.msk [tilespmem:v9+s28+$0x0], $0xffff;
	[tilespmem:s0+$0xFFFFFE30] =	vst v4  }
0x1a4: {  	v14 =	vor.u32 $0x300, v29;
	v13 =	vor.u32 $0x300, v30;
	v10 =	vor.u32 $0x300, v23;
	v61 =	vld.idx.msk [tilespmem:v11+s28+$0x0], $0xffff;
	[tilespmem:s0+$0xFFFFFE40] =	vst v3  }
0x1a5: {  	v8 =	vor.u32 $0x380, v27;
	v9 =	vor.u32 $0x380, v25;
	v11 =	vor.u32 $0x300, v24;
	v25 =	vld.idx.msk [tilespmem:v31+s28+$0x0], $0xffff;
	[tilespmem:s0+$0xFFFFFE50] =	vst v2  }
0x1a6: {  	v7 =	vor.u32 $0x380, v28;
	v6 =	vor.u32 $0x380, v29;
	v4 =	vor.u32 $0x380, v30;
	v27 =	vld.idx.msk [tilespmem:v32+s28+$0x0], $0xffff;
	[tilespmem:s0+$0xFFFFFF70] =	vst v56  }
0x1a7: {  	v3 =	vor.u32 $0x380, v23;
	v2 =	vor.u32 $0x380, v24;
	[tilespmem:s0+$0xFFFFFE60] =	vst v57;
	v23 =	vld.idx.msk [tilespmem:v59+s28+$0x0], $0xffff  }
0x1a8: {  	[tilespmem:s0+$0xFFFFFE80] =	vst v58;
	v24 =	vld.idx.msk [tilespmem:v33+s28+$0x0], $0xffff  }
0x1a9: {  	v29 =	vor.u32 $0x200, v5;
	[tilespmem:s0+$0xFFFFFE90] =	vst v60;
	v28 =	vld.idx.msk [tilespmem:v34+s28+$0x0], $0xffff  }
0x1aa: {  	v26 =	vld.idx.msk [tilespmem:v26+s28+$0x0], $0xffff;
	[tilespmem:s0+$0xFFFFFEA0] =	vst v61  }
0x1ab: {  	v30 =	vld.idx.msk [tilespmem:v35+s28+$0x0], $0xffff;
	[tilespmem:s0+$0xFFFFFEB0] =	vst v25  }
0x1ac: {  	v25 =	vld.idx.msk [tilespmem:v36+s28+$0x0], $0xffff;
	[tilespmem:s0+$0xFFFFFEC0] =	vst v27  }
0x1ad: {  	v27 =	vld.idx.msk [tilespmem:v37+s28+$0x0], $0xffff;
	[tilespmem:s0+$0xFFFFFFF0] =	vst v23  }
0x1ae: {  	[tilespmem:s0+$0xFFFFFED0] =	vst v24;
	v23 =	vld.idx.msk [tilespmem:v29+s28+$0x0], $0xffff  }
0x1af: {  	v24 =	vld.idx.msk [tilespmem:v38+s28+$0x0], $0xffff;
	[tilespmem:s0+$0xFFFFFEE0] =	vst v28  }
0x1b0: {  	v28 =	vor.u32 $0x280, v5;
	[tilespmem:s0+$0xFFFFFF00] =	vst v26;
	v26 =	vld.idx.msk [tilespmem:v39+s28+$0x0], $0xffff  }
0x1b1: {  	[tilespmem:s0+$0xFFFFFF10] =	vst v30;
	v29 =	vld.idx.msk [tilespmem:v41+s28+$0x0], $0xffff  }
0x1b2: {  	v30 =	vld.idx.msk [tilespmem:v40+s28+$0x0], $0xffff;
	[tilespmem:s0+$0xFFFFFF20] =	vst v25  }
0x1b3: {  	v25 =	vld.idx.msk [tilespmem:v42+s28+$0x0], $0xffff;
	[tilespmem:s0+$0xFFFFFF30] =	vst v27  }
0x1b4: {  	v27 =	vld.idx.msk [tilespmem:v43+s28+$0x0], $0xffff;
	[tilespmem:s0+$0x70] =	vst v23  }
0x1b5: {  	[tilespmem:s0+$0xFFFFFF40] =	vst v24;
	v23 =	vld.idx.msk [tilespmem:v28+s28+$0x0], $0xffff  }
0x1b6: {  	v24 =	vld.idx.msk [tilespmem:v44+s28+$0x0], $0xffff;
	[tilespmem:s0+$0xFFFFFF50] =	vst v26  }
0x1b7: {  	v28 =	vor.u32 $0x300, v5;
	v26 =	vld.idx.msk [tilespmem:v45+s28+$0x0], $0xffff;
	[tilespmem:s0+$0xFFFFFF60] =	vst v29  }
0x1b8: {  	[tilespmem:s0+$0xFFFFFF80] =	vst v30;
	v29 =	vld.idx.msk [tilespmem:v46+s28+$0x0], $0xffff  }
0x1b9: {  	[tilespmem:s0+$0xFFFFFF90] =	vst v25;
	v25 =	vld.idx.msk [tilespmem:v47+s28+$0x0], $0xffff  }
0x1ba: {  	v30 =	vld.idx.msk [tilespmem:v48+s28+$0x0], $0xffff;
	[tilespmem:s0+$0xFFFFFFA0] =	vst v27  }
0x1bb: {  	v27 =	vld.idx.msk [tilespmem:v49+s28+$0x0], $0xffff;
	[tilespmem:s0+$0xF0] =	vst v23  }
0x1bc: {  	[tilespmem:s0+$0xFFFFFFB0] =	vst v24;
	v23 =	vld.idx.msk [tilespmem:v28+s28+$0x0], $0xffff  }
0x1bd: {  	v24 =	vld.idx.msk [tilespmem:v50+s28+$0x0], $0xffff;
	[tilespmem:s0+$0xFFFFFFC0] =	vst v26  }
0x1be: {  	v5 =	vor.u32 $0x380, v5;
	v26 =	vld.idx.msk [tilespmem:v51+s28+$0x0], $0xffff;
	[tilespmem:s0+$0xFFFFFFD0] =	vst v29  }
0x1bf: {  	v28 =	vld.idx.msk [tilespmem:v52+s28+$0x0], $0xffff;
	[tilespmem:s0+$0xFFFFFFE0] =	vst v25  }
0x1c0: {  	[tilespmem:s0+$0x0] =	vst v30;
	v25 =	vld.idx.msk [tilespmem:v53+s28+$0x0], $0xffff  }
0x1c1: {  	[tilespmem:s0+$0x10] =	vst v27;
	v27 =	vld.idx.msk [tilespmem:v55+s28+$0x0], $0xffff  }
0x1c2: {  	v29 =	vld.idx.msk [tilespmem:v54+s28+$0x0], $0xffff;
	[tilespmem:s0+$0x170] =	vst v23  }
0x1c3: {  	[tilespmem:s0+$0x20] =	vst v24;
	v5 =	vld.idx.msk [tilespmem:v5+s28+$0x0], $0xffff  }
0x1c4: {  	v20 =	vld.idx.msk [tilespmem:v20+s28+$0x0], $0xffff;
	[tilespmem:s0+$0x30] =	vst v26  }
0x1c5: {  	v22 =	vld.idx.msk [tilespmem:v22+s28+$0x0], $0xffff;
	[tilespmem:s0+$0x40] =	vst v28  }
0x1c6: {  	v21 =	vld.idx.msk [tilespmem:v21+s28+$0x0], $0xffff;
	[tilespmem:s0+$0x50] =	vst v25  }
0x1c7: {  	v23 =	vld.idx.msk [tilespmem:v17+s28+$0x0], $0xffff;
	[tilespmem:s0+$0x60] =	vst v27  }
0x1c8: {  	[tilespmem:s0+$0x80] =	vst v29;
	v19 =	vld.idx.msk [tilespmem:v19+s28+$0x0], $0xffff  }
0x1c9: {  	v17 =	vld.idx.msk [tilespmem:v18+s28+$0x0], $0xffff;
	[tilespmem:s0+$0x1F0] =	vst v5  }
.Ltmp6:
0x1ca: {  	v16 =	vld.idx.msk [tilespmem:v16+s28+$0x0], $0xffff;
	[tilespmem:s0+$0x90] =	vst v20;
	(pc) =	sbr.rel @p0 .LBB2_9-.Ltmp6, $4  }
0x1cb: {  	v15 =	vld.idx.msk [tilespmem:v15+s28+$0x0], $0xffff;
	[tilespmem:s0+$0xA0] =	vst v22  }
0x1cc: {  	v18 =	vld.idx.msk [tilespmem:v12+s28+$0x0], $0xffff;
	[tilespmem:s0+$0xB0] =	vst v21  }
0x1cd: {  	v5 =	vld.idx.msk [tilespmem:v14+s28+$0x0], $0xffff;
	[tilespmem:s0+$0xC0] =	vst v23  }
0x1ce: {  	s6 =	sadd.s32 $0x80, s6;
	v12 =	vld.idx.msk [tilespmem:v13+s28+$0x0], $0xffff;
	[tilespmem:s0+$0xD0] =	vst v19  }
0x1cf: {  	_ =	sdelay $0x2  }
0x1d0: {  	[tilespmem:s0+$0xE0] =	vst v17  }
0x1d1: {  	[tilespmem:s0+$0x100] =	vst v16;
	v10 =	vld.idx.msk [tilespmem:v10+s28+$0x0], $0xffff  }
0x1d2: {  	[tilespmem:s0+$0x110] =	vst v15;
	v11 =	vld.idx.msk [tilespmem:v11+s28+$0x0], $0xffff  }
0x1d3: {  	v9 =	vld.idx.msk [tilespmem:v9+s28+$0x0], $0xffff;
	[tilespmem:s0+$0x120] =	vst v18  }
0x1d4: {  	[tilespmem:s0+$0x130] =	vst v5;
	v5 =	vld.idx.msk [tilespmem:v8+s28+$0x0], $0xffff  }
0x1d5: {  	v7 =	vld.idx.msk [tilespmem:v7+s28+$0x0], $0xffff;
	[tilespmem:s0+$0x140] =	vst v12  }
0x1d6: {  	v6 =	vld.idx.msk [tilespmem:v6+s28+$0x0], $0xffff;
	[tilespmem:s0+$0x150] =	vst v10  }
0x1d7: {  	v4 =	vld.idx.msk [tilespmem:v4+s28+$0x0], $0xffff;
	[tilespmem:s0+$0x160] =	vst v11  }
0x1d8: {  	[tilespmem:s0+$0x180] =	vst v9;
	v3 =	vld.idx.msk [tilespmem:v3+s28+$0x0], $0xffff  }
0x1d9: {  	v2 =	vld.idx.msk [tilespmem:v2+s28+$0x0], $0xffff;
	[tilespmem:s3+$0x190] =	vst v5  }
0x1da: {  	s6 =	sshll.u32 s4, $0x5;
	[tilespmem:s3+$0x1A0] =	vst v7  }
0x1db: {  	s0 =	sadd.s32 s6, s7;
	[tilespmem:s3+$0x1B0] =	vst v6  }
0x1dc: {  	s6 =	rddreg [dreg:$0x3];
	s0 =	sshll.u32 s0, $0x8;
	[tilespmem:s3+$0x1C0] =	vst v4  }
0x1dd: {  	p0 =	seq.s32 s4, $0xF;
	s0 =	sadd.s32 s6, s0;
	[tilespmem:s3+$0x1D0] =	vst v3  }
0x1de: {  	s16 =	sadd.s32 $0x800, s0;
	[tilespmem:s3+$0x1E0] =	vst v2;
	s3 =	sshrl.u32 @!p0 s2, $0x2  }
0x1df: {  	[hbm4b:s16+s5] =	stream.linear.scatter [tilespmem:s23], [sflag:$0x6], $0x4000, $0x38;
	[tilespmem:$0x1A800] =	vst v63  }
0x1e0: {  	v2 =	vld.msk @!p0 [tilespmem:s3+$0x280], $0xff;
	_ =	sdelay $0x4  }
0x1e1: {  	v3 =	vshll.u32 @!p0 v2, $0x4  }
0x1e2: {  	v4 =	vlaneseq.u32 @!p0;
	v2 =	vand.u32 @!p0 $0x7, v2;
	v3 =	vand.u32 @!p0 $0xFFFFFF80, v3  }
0x1e3: {  	v2 =	vor.u32 @!p0 v2, v3;
	v3 =	vand.u32 @!p0 $0x7, v4;
	v4 =	vshrl.u32 @!p0 v4, $0x3  }
0x1e4: {  	v2 =	vperm.xlane @!p0 v2, v3;
	v3 =	vmul.u32 @!p0 $0x8, v4;
	_ =	sdelay $0x1  }
0x1e5: {  	v2 =	vadd.s32 @!p0 v3, v2;
	_ =	sdelay $0x3  }
0x1e6: {  	vm1 =	vmmov @!p0 $0xffff;
	s6 =	simm.s32 @!p0 $0x0;
	s16 =	simm.s32 @!p0 $0x6800  }
0x1e7: {  	[tilespmem:s16], [sflag:$0x2] =	stream.indirect_vreg.gather @!p0 [hbm4b:s1+s6], $0x80, v2, vm1, $0xb8;
	[tilespmem:$0x1A800] =	vst v63  }
0x1e8: {  	s16 =	simm.s32 @!p0 $0x7000  }
0x1e9: {  	[tilespmem:s16], [sflag:$0x2] =	stream.indirect_vreg.gather @!p0 [hbm4b:s8+s6], $0x80, v2, vm1, $0xb8;
	[tilespmem:$0x1A800] =	vst v63  }
0x1ea: {  	s16 =	simm.s32 @!p0 $0x7800  }
0x1eb: {  	[tilespmem:s16], [sflag:$0x2] =	stream.indirect_vreg.gather @!p0 [hbm4b:s9+s6], $0x80, v2, vm1, $0xb8;
	[tilespmem:$0x1A800] =	vst v63  }
0x1ec: {  	s16 =	simm.s32 @!p0 $0x8000  }
0x1ed: {  	[tilespmem:s16], [sflag:$0x2] =	stream.indirect_vreg.gather @!p0 [hbm4b:s10+s6], $0x80, v2, vm1, $0xb8;
	[tilespmem:$0x1A800] =	vst v63  }
0x1ee: {  	s16 =	simm.s32 @!p0 $0x8800  }
0x1ef: {  	[tilespmem:s16], [sflag:$0x2] =	stream.indirect_vreg.gather @!p0 [hbm4b:s11+s6], $0x80, v2, vm1, $0xb8;
	[tilespmem:$0x1A800] =	vst v63  }
0x1f0: {  	s16 =	simm.s32 @!p0 $0x9000  }
0x1f1: {  	[tilespmem:s16], [sflag:$0x2] =	stream.indirect_vreg.gather @!p0 [hbm4b:s12+s6], $0x80, v2, vm1, $0xb8;
	[tilespmem:$0x1A800] =	vst v63  }
0x1f2: {  	s16 =	simm.s32 @!p0 $0x9800  }
0x1f3: {  	[tilespmem:s16], [sflag:$0x2] =	stream.indirect_vreg.gather @!p0 [hbm4b:s13+s6], $0x80, v2, vm1, $0xb8;
	[tilespmem:$0x1A800] =	vst v63  }
0x1f4: {  	s16 =	simm.s32 @!p0 $0xA000  }
0x1f5: {  	[tilespmem:s16], [sflag:$0x2] =	stream.indirect_vreg.gather @!p0 [hbm4b:s14+s6], $0x80, v2, vm1, $0xb8;
	[tilespmem:$0x1A800] =	vst v63  }
0x1f6: {  	_ =	swait.ge [sflag:s24], $0x4000  }
0x1f7: {  	[sflag:s24] =	ssyncset.done $0x0  }
0x1f8: {  	[sflag:s24] =	ssyncadd.s32 $0xFFFFC000  }
0x1f9: {  	_ =	swait.ge [sflag:s25], $0x4000  }
0x1fa: {  	[sflag:s25] =	ssyncset.done $0x0  }
0x1fb: {  	s18 =	simm.s32 $0x2040;
	[sflag:s25] =	ssyncadd.s32 $0xFFFFC000  }
0x1fc: {  	v2 =	vld [tilespmem:s18+$0x30];
	_ =	sdelay $0x3  }
0x1fd: {  	v3 =	vld [tilespmem:s18+$0xFFFFFFD0]  }
0x1fe: {  	v4 =	vshll.u32 v2, $0x3  }
0x1ff: {  	v5 =	vld [tilespmem:s18+$0xFFFFFFE0];
	v2 =	vand.u32 $0x7F, v2;
	v4 =	vand.u32 $0xFFFFFC00, v4  }
0x200: {  	v7 =	vld [tilespmem:s18+$0xFFFFFFC0];
	v6 =	vor.u32 v2, v4;
	_ =	sdelay $0x1  }
0x201: {  	v4 =	vld [tilespmem:s18+$0xFFFFFFF0];
	v2 =	vshll.u32 v3, $0x3  }
0x202: {  	v9 =	vld [tilespmem:s18+$0x10];
	v3 =	vand.u32 $0x7F, v3;
	v10 =	vand.u32 $0xFFFFFC00, v2  }
0x203: {  	v8 =	vld [tilespmem:s18+$0x0];
	v2 =	vshll.u32 v5, $0x3;
	v3 =	vor.u32 v3, v10  }
0x204: {  	v13 =	vor.u32 $0x80, v6;
	v11 =	vand.u32 $0xFFFFFC00, v2;
	v2 =	vshll.u32 v7, $0x3;
	v12 =	vld.idx.msk [tilespmem:v6+s29+$0x0], $0xffff  }
0x205: {  	v14 =	vld [tilespmem:s18+$0x20];
	v5 =	vand.u32 $0x7F, v5;
	v7 =	vand.u32 $0x7F, v7;
	v2 =	vand.u32 $0xFFFFFC00, v2  }
0x206: {  	v2 =	vor.u32 v7, v2;
	v15 =	vshll.u32 v4, $0x3;
	v10 =	vand.u32 $0x7F, v4  }
0x207: {  	v4 =	vor.u32 v5, v11;
	v11 =	vshll.u32 v9, $0x3;
	v7 =	vand.u32 $0xFFFFFC00, v15  }
0x208: {  	s18 =	simm.s32 $0x12A00;
	v15 =	vshll.u32 v8, $0x3;
	v5 =	vor.u32 v10, v7;
	v7 =	vand.u32 $0xFFFFFC00, v11;
	v11 =	vld.idx.msk [tilespmem:v3+s29+$0x0], $0xffff  }
0x209: {  	v17 =	vor.u32 $0x80, v3;
	v8 =	vand.u32 $0x7F, v8;
	v15 =	vand.u32 $0xFFFFFC00, v15;
	[tilespmem:s18+$0xFFFFFE70] =	vst v12  }
0x20a: {  	v9 =	vand.u32 $0x7F, v9;
	v10 =	vshll.u32 v14, $0x3;
	v12 =	vor.u32 v8, v15;
	v8 =	vld.idx.msk [tilespmem:v13+s29+$0x0], $0xffff  }
0x20b: {  	v13 =	vor.u32 v9, v7;
	v7 =	vld.idx.msk [tilespmem:v2+s29+$0x0], $0xffff;
	v9 =	vand.u32 $0xFFFFFC00, v10;
	v10 =	vand.u32 $0x7F, v14  }
0x20c: {  	v15 =	vor.u32 $0x100, v6;
	v14 =	vor.u32 v10, v9;
	v9 =	vld.idx.msk [tilespmem:v4+s29+$0x0], $0xffff  }
0x20d: {  	v10 =	vor.u32 $0x80, v2;
	v16 =	vld.idx.msk [tilespmem:v5+s29+$0x0], $0xffff;
	[tilespmem:s18+$0xFFFFFE10] =	vst v11  }
0x20e: {  	v17 =	vld.idx.msk [tilespmem:v17+s29+$0x0], $0xffff  }
0x20f: {  	v19 =	vor.u32 $0x80, v4;
	v18 =	vld.idx.msk [tilespmem:v12+s29+$0x0], $0xffff  }
0x210: {  	v20 =	vld.idx.msk [tilespmem:v13+s29+$0x0], $0xffff;
	[tilespmem:s18+$0xFFFFFEF0] =	vst v8;
	v8 =	vor.u32 $0x80, v5  }
0x211: {  	[tilespmem:s18+$0xFFFFFE00] =	vst v7;
	v7 =	vld.idx.msk [tilespmem:v15+s29+$0x0], $0xffff;
	v15 =	vor.u32 $0x80, v12  }
0x212: {  	v21 =	vor.u32 $0x80, v13;
	v10 =	vld.idx.msk [tilespmem:v10+s29+$0x0], $0xffff;
	[tilespmem:s18+$0xFFFFFE20] =	vst v9  }
0x213: {  	v11 =	vld.idx.msk [tilespmem:v14+s29+$0x0], $0xffff;
	v9 =	vor.u32 $0x180, v6;
	[tilespmem:s18+$0xFFFFFE30] =	vst v16  }
0x214: {  	v16 =	vor.u32 $0x80, v14;
	v19 =	vld.idx.msk [tilespmem:v19+s29+$0x0], $0xffff;
	[tilespmem:s18+$0xFFFFFE40] =	vst v18  }
0x215: {  	v18 =	vor.u32 $0x100, v2;
	v8 =	vld.idx.msk [tilespmem:v8+s29+$0x0], $0xffff;
	[tilespmem:s18+$0xFFFFFE50] =	vst v20  }
0x216: {  	v20 =	vor.u32 $0x100, v3;
	v15 =	vld.idx.msk [tilespmem:v15+s29+$0x0], $0xffff;
	[tilespmem:s18+$0xFFFFFF70] =	vst v7  }
0x217: {  	v7 =	vor.u32 $0x100, v4;
	[tilespmem:s18+$0xFFFFFE80] =	vst v10;
	v10 =	vld.idx.msk [tilespmem:v21+s29+$0x0], $0xffff  }
0x218: {  	[tilespmem:s18+$0xFFFFFE60] =	vst v11;
	v11 =	vor.u32 $0x100, v5;
	v9 =	vld.idx.msk [tilespmem:v9+s29+$0x0], $0xffff  }
0x219: {  	v61 =	vor.u32 $0x100, v12;
	[tilespmem:s18+$0xFFFFFE90] =	vst v17;
	v16 =	vld.idx.msk [tilespmem:v16+s29+$0x0], $0xffff  }
0x21a: {  	[tilespmem:s18+$0xFFFFFEA0] =	vst v19;
	v19 =	vor.u32 $0x100, v13;
	v18 =	vld.idx.msk [tilespmem:v18+s29+$0x0], $0xffff  }
0x21b: {  	v17 =	vor.u32 $0x200, v6;
	v20 =	vld.idx.msk [tilespmem:v20+s29+$0x0], $0xffff;
	[tilespmem:s18+$0xFFFFFEB0] =	vst v8  }
0x21c: {  	v8 =	vor.u32 $0x100, v14;
	v7 =	vld.idx.msk [tilespmem:v7+s29+$0x0], $0xffff;
	[tilespmem:s18+$0xFFFFFEC0] =	vst v15  }
0x21d: {  	v15 =	vor.u32 $0x180, v2;
	v11 =	vld.idx.msk [tilespmem:v11+s29+$0x0], $0xffff;
	[tilespmem:s18+$0xFFFFFED0] =	vst v10  }
0x21e: {  	[tilespmem:s18+$0xFFFFFFF0] =	vst v9;
	v9 =	vor.u32 $0x180, v3;
	v21 =	vld.idx.msk [tilespmem:v61+s29+$0x0], $0xffff  }
0x21f: {  	[tilespmem:s18+$0xFFFFFEE0] =	vst v16;
	v16 =	vld.idx.msk [tilespmem:v19+s29+$0x0], $0xffff;
	v19 =	vor.u32 $0x180, v5  }
0x220: {  	v10 =	vld.idx.msk [tilespmem:v17+s29+$0x0], $0xffff;
	v17 =	vor.u32 $0x180, v4;
	[tilespmem:s18+$0xFFFFFF00] =	vst v18  }
0x221: {  	v18 =	vor.u32 $0x280, v6;
	[tilespmem:s18+$0xFFFFFF10] =	vst v20;
	v8 =	vld.idx.msk [tilespmem:v8+s29+$0x0], $0xffff  }
0x222: {  	v20 =	vor.u32 $0x180, v12;
	v15 =	vld.idx.msk [tilespmem:v15+s29+$0x0], $0xffff;
	[tilespmem:s18+$0xFFFFFF20] =	vst v7  }
0x223: {  	v7 =	vor.u32 $0x180, v13;
	[tilespmem:s18+$0xFFFFFF30] =	vst v11;
	v9 =	vld.idx.msk [tilespmem:v9+s29+$0x0], $0xffff  }
0x224: {  	v11 =	vor.u32 $0x180, v14;
	[tilespmem:s18+$0xFFFFFF40] =	vst v21;
	v19 =	vld.idx.msk [tilespmem:v19+s29+$0x0], $0xffff  }
0x225: {  	v17 =	vld.idx.msk [tilespmem:v17+s29+$0x0], $0xffff;
	[tilespmem:s18+$0x70] =	vst v10;
	v10 =	vor.u32 $0x200, v2  }
0x226: {  	v62 =	vor.u32 $0x200, v3;
	[tilespmem:s18+$0xFFFFFF50] =	vst v16;
	v18 =	vld.idx.msk [tilespmem:v18+s29+$0x0], $0xffff  }
0x227: {  	v16 =	vld.idx.msk [tilespmem:v20+s29+$0x0], $0xffff;
	[tilespmem:s18+$0xFFFFFF60] =	vst v8;
	v8 =	vor.u32 $0x300, v6  }
0x228: {  	v20 =	vor.u32 $0x200, v4;
	[tilespmem:s18+$0xFFFFFF80] =	vst v15;
	v7 =	vld.idx.msk [tilespmem:v7+s29+$0x0], $0xffff  }
0x229: {  	v15 =	vor.u32 $0x200, v5;
	[tilespmem:s18+$0xFFFFFF90] =	vst v9;
	v9 =	vld.idx.msk [tilespmem:v11+s29+$0x0], $0xffff  }
0x22a: {  	v11 =	vor.u32 $0x200, v12;
	v10 =	vld.idx.msk [tilespmem:v10+s29+$0x0], $0xffff;
	[tilespmem:s18+$0xFFFFFFA0] =	vst v17  }
0x22b: {  	v17 =	vor.u32 $0x200, v13;
	v21 =	vld.idx.msk [tilespmem:v62+s29+$0x0], $0xffff;
	[tilespmem:s18+$0xF0] =	vst v18  }
0x22c: {  	[tilespmem:s18+$0xFFFFFFB0] =	vst v19;
	v18 =	vor.u32 $0x200, v14;
	v8 =	vld.idx.msk [tilespmem:v8+s29+$0x0], $0xffff  }
0x22d: {  	v19 =	vor.u32 $0x280, v2;
	v20 =	vld.idx.msk [tilespmem:v20+s29+$0x0], $0xffff;
	[tilespmem:s18+$0xFFFFFFC0] =	vst v16  }
0x22e: {  	v6 =	vor.u32 $0x380, v6;
	v15 =	vld.idx.msk [tilespmem:v15+s29+$0x0], $0xffff;
	[tilespmem:s18+$0xFFFFFFD0] =	vst v7  }
0x22f: {  	v7 =	vor.u32 $0x280, v3;
	v11 =	vld.idx.msk [tilespmem:v11+s29+$0x0], $0xffff;
	[tilespmem:s18+$0xFFFFFFE0] =	vst v9  }
0x230: {  	v9 =	vor.u32 $0x280, v4;
	[tilespmem:s18+$0x0] =	vst v10;
	v10 =	vld.idx.msk [tilespmem:v17+s29+$0x0], $0xffff  }
0x231: {  	v16 =	vor.u32 $0x280, v5;
	[tilespmem:s18+$0x10] =	vst v21;
	v17 =	vld.idx.msk [tilespmem:v18+s29+$0x0], $0xffff  }
0x232: {  	v18 =	vor.u32 $0x280, v12;
	v19 =	vld.idx.msk [tilespmem:v19+s29+$0x0], $0xffff;
	[tilespmem:s18+$0x170] =	vst v8  }
0x233: {  	v8 =	vor.u32 $0x280, v13;
	[tilespmem:s18+$0x20] =	vst v20;
	v6 =	vld.idx.msk [tilespmem:v6+s29+$0x0], $0xffff  }
0x234: {  	v20 =	vor.u32 $0x280, v14;
	v7 =	vld.idx.msk [tilespmem:v7+s29+$0x0], $0xffff;
	[tilespmem:s18+$0x30] =	vst v15  }
0x235: {  	v15 =	vor.u32 $0x300, v2;
	v9 =	vld.idx.msk [tilespmem:v9+s29+$0x0], $0xffff;
	[tilespmem:s18+$0x40] =	vst v11  }
0x236: {  	v11 =	vor.u32 $0x300, v3;
	v63 =	vld.idx.msk [tilespmem:v16+s29+$0x0], $0xffff;
	[tilespmem:s18+$0x50] =	vst v10  }
0x237: {  	v22 =	vor.u32 $0x300, v4;
	v23 =	vld.idx.msk [tilespmem:v18+s29+$0x0], $0xffff;
	[tilespmem:s18+$0x60] =	vst v17  }
0x238: {  	v24 =	vor.u32 $0x300, v5;
	[tilespmem:s18+$0x80] =	vst v19;
	v19 =	vld.idx.msk [tilespmem:v8+s29+$0x0], $0xffff  }
0x239: {  	v25 =	vor.u32 $0x300, v12;
	v17 =	vld.idx.msk [tilespmem:v20+s29+$0x0], $0xffff;
	[tilespmem:s18+$0x1F0] =	vst v6  }
0x23a: {  	v16 =	vld.idx.msk [tilespmem:v15+s29+$0x0], $0xffff;
	[tilespmem:s18+$0x90] =	vst v7  }
0x23b: {  	v15 =	vld.idx.msk [tilespmem:v11+s29+$0x0], $0xffff;
	[tilespmem:s18+$0xA0] =	vst v9  }
0x23c: {  	v10 =	vor.u32 $0x300, v13;
	v8 =	vor.u32 $0x380, v3;
	v3 =	vor.u32 $0x380, v13;
	[tilespmem:s18+$0xB0] =	vst v63;
	v18 =	vld.idx.msk [tilespmem:v22+s29+$0x0], $0xffff  }
0x23d: {  	v7 =	vor.u32 $0x380, v4;
	v6 =	vor.u32 $0x380, v5;
	v4 =	vor.u32 $0x380, v12;
	v5 =	vld.idx.msk [tilespmem:v24+s29+$0x0], $0xffff;
	[tilespmem:s18+$0xC0] =	vst v23  }
0x23e: {  	s30 =	simm.s32 $0x12A00;
	s6 =	simm.s32 $0x0;
	s16 =	simm.s32 $0x20C0;
	v9 =	vor.u32 $0x380, v2;
	v11 =	vor.u32 $0x300, v14;
	v2 =	vor.u32 $0x380, v14;
	v12 =	vld.idx.msk [tilespmem:v25+s29+$0x0], $0xffff;
	[tilespmem:s18+$0xD0] =	vst v19  }
.LBB2_11:
0x23f: {  	v13 =	vld [tilespmem:s16+$0x30];
	s6 =	sadd.s32 $0x8, s6;
	[tilespmem:s18+$0xE0] =	vst v17  }
0x240: {  	v14 =	vld [tilespmem:s16+$0xFFFFFFD0];
	p1 =	slt.u32 s6, $0x78;
	[tilespmem:s18+$0x100] =	vst v16  }
0x241: {  	v16 =	vld [tilespmem:s16+$0xFFFFFFE0];
	[tilespmem:s18+$0x110] =	vst v15  }
0x242: {  	v15 =	vld [tilespmem:s16+$0xFFFFFFF0];
	[tilespmem:s18+$0x120] =	vst v18  }
0x243: {  	v17 =	vld [tilespmem:s16+$0x0];
	[tilespmem:s18+$0x130] =	vst v5  }
0x244: {  	v18 =	vld [tilespmem:s16+$0x10];
	v5 =	vshll.u32 v13, $0x3;
	[tilespmem:s18+$0x140] =	vst v12  }
0x245: {  	v13 =	vand.u32 $0x7F, v13;
	v12 =	vshll.u32 v14, $0x3;
	v19 =	vld [tilespmem:s16+$0x20];
	v5 =	vand.u32 $0xFFFFFC00, v5  }
0x246: {  	v20 =	vld [tilespmem:s16+$0xFFFFFFC0];
	v12 =	vand.u32 $0xFFFFFC00, v12;
	v21 =	vshll.u32 v16, $0x3;
	v5 =	vor.u32 v13, v5  }
0x247: {  	v13 =	vand.u32 $0x7F, v14;
	v14 =	vand.u32 $0xFFFFFC00, v21;
	v21 =	vshll.u32 v15, $0x3;
	v10 =	vld.idx.msk [tilespmem:v10+s29+$0x0], $0xffff  }
0x248: {  	v16 =	vand.u32 $0x7F, v16;
	v21 =	vand.u32 $0xFFFFFC00, v21;
	v22 =	vshll.u32 v17, $0x3;
	v11 =	vld.idx.msk [tilespmem:v11+s29+$0x0], $0xffff  }
0x249: {  	v15 =	vand.u32 $0x7F, v15;
	v22 =	vand.u32 $0xFFFFFC00, v22;
	v23 =	vshll.u32 v18, $0x3;
	v9 =	vld.idx.msk [tilespmem:v9+s29+$0x0], $0xffff  }
0x24a: {  	v17 =	vand.u32 $0x7F, v17;
	v23 =	vand.u32 $0xFFFFFC00, v23;
	v24 =	vshll.u32 v19, $0x3;
	v8 =	vld.idx.msk [tilespmem:v8+s29+$0x0], $0xffff  }
0x24b: {  	v25 =	vand.u32 $0x7F, v20;
	v20 =	vshll.u32 v20, $0x3;
	v24 =	vand.u32 $0xFFFFFC00, v24;
	v26 =	vld.idx.msk [tilespmem:v5+s29+$0x0], $0xffff  }
0x24c: {  	v18 =	vand.u32 $0x7F, v18;
	v19 =	vand.u32 $0x7F, v19;
	v20 =	vand.u32 $0xFFFFFC00, v20;
	v7 =	vld.idx.msk [tilespmem:v7+s29+$0x0], $0xffff  }
0x24d: {  	v27 =	vor.u32 v13, v12;
	v12 =	vor.u32 $0x80, v5;
	v25 =	vor.u32 v25, v20;
	v6 =	vld.idx.msk [tilespmem:v6+s29+$0x0], $0xffff;
	[tilespmem:s18+$0x150] =	vst v10  }
0x24e: {  	v28 =	vor.u32 v16, v14;
	v29 =	vor.u32 v15, v21;
	v30 =	vor.u32 v17, v22;
	[tilespmem:s18+$0x160] =	vst v11  }
0x24f: {  	v23 =	vor.u32 v18, v23;
	v24 =	vor.u32 v19, v24;
	v10 =	vor.u32 $0x80, v25;
	[tilespmem:s18+$0x180] =	vst v9;
	v4 =	vld.idx.msk [tilespmem:v4+s29+$0x0], $0xffff  }
0x250: {  	v31 =	vor.u32 $0x80, v29;
	v11 =	vor.u32 $0x80, v28;
	v9 =	vor.u32 $0x80, v27;
	s18 =	sadd.s32 $0x400, s18;
	[tilespmem:s30+$0x190] =	vst v8;
	v3 =	vld.idx.msk [tilespmem:v3+s29+$0x0], $0xffff  }
0x251: {  	v32 =	vor.u32 $0x80, v30;
	v33 =	vor.u32 $0x80, v23;
	v34 =	vor.u32 $0x80, v24;
	[tilespmem:s18+$0xFFFFFE70] =	vst v26;
	v2 =	vld.idx.msk [tilespmem:v2+s29+$0x0], $0xffff  }
0x252: {  	v35 =	vor.u32 $0x100, v27;
	v36 =	vor.u32 $0x100, v28;
	v26 =	vor.u32 $0x100, v25;
	v8 =	vld.idx.msk [tilespmem:v12+s29+$0x0], $0xffff;
	[tilespmem:s30+$0x1A0] =	vst v7  }
0x253: {  	v37 =	vor.u32 $0x100, v29;
	v38 =	vor.u32 $0x100, v30;
	v39 =	vor.u32 $0x100, v23;
	v7 =	vld.idx.msk [tilespmem:v25+s29+$0x0], $0xffff;
	[tilespmem:s30+$0x1B0] =	vst v6  }
0x254: {  	v41 =	vor.u32 $0x100, v24;
	v40 =	vor.u32 $0x180, v25;
	v12 =	vor.u32 $0x100, v5;
	v6 =	vld.idx.msk [tilespmem:v27+s29+$0x0], $0xffff  }
0x255: {  	v42 =	vor.u32 $0x180, v27;
	v43 =	vor.u32 $0x180, v28;
	v44 =	vor.u32 $0x180, v29;
	v13 =	vld.idx.msk [tilespmem:v28+s29+$0x0], $0xffff;
	[tilespmem:s30+$0x1C0] =	vst v4  }
0x256: {  	v45 =	vor.u32 $0x180, v30;
	v46 =	vor.u32 $0x180, v23;
	v47 =	vor.u32 $0x180, v24;
	v4 =	vld.idx.msk [tilespmem:v29+s29+$0x0], $0xffff;
	[tilespmem:s30+$0x1D0] =	vst v3  }
0x257: {  	v49 =	vor.u32 $0x200, v27;
	v50 =	vor.u32 $0x200, v28;
	v48 =	vor.u32 $0x200, v25;
	v3 =	vld.idx.msk [tilespmem:v30+s29+$0x0], $0xffff;
	[tilespmem:s30+$0x1E0] =	vst v2;
	s30 =	smov.u32 s18  }
0x258: {  	v51 =	vor.u32 $0x200, v29;
	v52 =	vor.u32 $0x200, v30;
	v53 =	vor.u32 $0x200, v23;
	v2 =	vld.idx.msk [tilespmem:v23+s29+$0x0], $0xffff;
	[tilespmem:s18+$0xFFFFFEF0] =	vst v8  }
0x259: {  	v20 =	vor.u32 $0x280, v27;
	v55 =	vor.u32 $0x200, v24;
	v54 =	vor.u32 $0x280, v25;
	[tilespmem:s18+$0xFFFFFE00] =	vst v7;
	v56 =	vld.idx.msk [tilespmem:v12+s29+$0x0], $0xffff  }
0x25a: {  	v22 =	vor.u32 $0x280, v28;
	v21 =	vor.u32 $0x280, v29;
	v17 =	vor.u32 $0x280, v30;
	[tilespmem:s18+$0xFFFFFE10] =	vst v6;
	v57 =	vld.idx.msk [tilespmem:v24+s29+$0x0], $0xffff  }
0x25b: {  	v59 =	vor.u32 $0x180, v5;
	v19 =	vor.u32 $0x280, v23;
	v18 =	vor.u32 $0x280, v24;
	v58 =	vld.idx.msk [tilespmem:v10+s29+$0x0], $0xffff;
	[tilespmem:s18+$0xFFFFFE20] =	vst v13  }
0x25c: {  	v15 =	vor.u32 $0x300, v27;
	v16 =	vor.u32 $0x300, v25;
	v12 =	vor.u32 $0x300, v28;
	v60 =	vld.idx.msk [tilespmem:v9+s29+$0x0], $0xffff;
	[tilespmem:s18+$0xFFFFFE30] =	vst v4  }
0x25d: {  	v14 =	vor.u32 $0x300, v29;
	v13 =	vor.u32 $0x300, v30;
	v10 =	vor.u32 $0x300, v23;
	v61 =	vld.idx.msk [tilespmem:v11+s29+$0x0], $0xffff;
	[tilespmem:s18+$0xFFFFFE40] =	vst v3  }
0x25e: {  	v8 =	vor.u32 $0x380, v27;
	v9 =	vor.u32 $0x380, v25;
	v11 =	vor.u32 $0x300, v24;
	v25 =	vld.idx.msk [tilespmem:v31+s29+$0x0], $0xffff;
	[tilespmem:s18+$0xFFFFFE50] =	vst v2  }
0x25f: {  	v7 =	vor.u32 $0x380, v28;
	v6 =	vor.u32 $0x380, v29;
	v4 =	vor.u32 $0x380, v30;
	v27 =	vld.idx.msk [tilespmem:v32+s29+$0x0], $0xffff;
	[tilespmem:s18+$0xFFFFFF70] =	vst v56  }
0x260: {  	v3 =	vor.u32 $0x380, v23;
	v2 =	vor.u32 $0x380, v24;
	[tilespmem:s18+$0xFFFFFE60] =	vst v57;
	v23 =	vld.idx.msk [tilespmem:v59+s29+$0x0], $0xffff  }
0x261: {  	[tilespmem:s18+$0xFFFFFE80] =	vst v58;
	v24 =	vld.idx.msk [tilespmem:v33+s29+$0x0], $0xffff  }
0x262: {  	v29 =	vor.u32 $0x200, v5;
	[tilespmem:s18+$0xFFFFFE90] =	vst v60;
	v28 =	vld.idx.msk [tilespmem:v34+s29+$0x0], $0xffff  }
0x263: {  	v26 =	vld.idx.msk [tilespmem:v26+s29+$0x0], $0xffff;
	[tilespmem:s18+$0xFFFFFEA0] =	vst v61  }
0x264: {  	v30 =	vld.idx.msk [tilespmem:v35+s29+$0x0], $0xffff;
	[tilespmem:s18+$0xFFFFFEB0] =	vst v25  }
0x265: {  	v25 =	vld.idx.msk [tilespmem:v36+s29+$0x0], $0xffff;
	[tilespmem:s18+$0xFFFFFEC0] =	vst v27  }
0x266: {  	v27 =	vld.idx.msk [tilespmem:v37+s29+$0x0], $0xffff;
	[tilespmem:s18+$0xFFFFFFF0] =	vst v23  }
0x267: {  	[tilespmem:s18+$0xFFFFFED0] =	vst v24;
	v23 =	vld.idx.msk [tilespmem:v29+s29+$0x0], $0xffff  }
0x268: {  	v24 =	vld.idx.msk [tilespmem:v38+s29+$0x0], $0xffff;
	[tilespmem:s18+$0xFFFFFEE0] =	vst v28  }
0x269: {  	v28 =	vor.u32 $0x280, v5;
	[tilespmem:s18+$0xFFFFFF00] =	vst v26;
	v26 =	vld.idx.msk [tilespmem:v39+s29+$0x0], $0xffff  }
0x26a: {  	[tilespmem:s18+$0xFFFFFF10] =	vst v30;
	v29 =	vld.idx.msk [tilespmem:v41+s29+$0x0], $0xffff  }
0x26b: {  	v30 =	vld.idx.msk [tilespmem:v40+s29+$0x0], $0xffff;
	[tilespmem:s18+$0xFFFFFF20] =	vst v25  }
0x26c: {  	v25 =	vld.idx.msk [tilespmem:v42+s29+$0x0], $0xffff;
	[tilespmem:s18+$0xFFFFFF30] =	vst v27  }
0x26d: {  	v27 =	vld.idx.msk [tilespmem:v43+s29+$0x0], $0xffff;
	[tilespmem:s18+$0x70] =	vst v23  }
0x26e: {  	[tilespmem:s18+$0xFFFFFF40] =	vst v24;
	v23 =	vld.idx.msk [tilespmem:v28+s29+$0x0], $0xffff  }
0x26f: {  	v24 =	vld.idx.msk [tilespmem:v44+s29+$0x0], $0xffff;
	[tilespmem:s18+$0xFFFFFF50] =	vst v26  }
0x270: {  	v28 =	vor.u32 $0x300, v5;
	v26 =	vld.idx.msk [tilespmem:v45+s29+$0x0], $0xffff;
	[tilespmem:s18+$0xFFFFFF60] =	vst v29  }
0x271: {  	[tilespmem:s18+$0xFFFFFF80] =	vst v30;
	v29 =	vld.idx.msk [tilespmem:v46+s29+$0x0], $0xffff  }
0x272: {  	[tilespmem:s18+$0xFFFFFF90] =	vst v25;
	v25 =	vld.idx.msk [tilespmem:v47+s29+$0x0], $0xffff  }
0x273: {  	v30 =	vld.idx.msk [tilespmem:v48+s29+$0x0], $0xffff;
	[tilespmem:s18+$0xFFFFFFA0] =	vst v27  }
0x274: {  	v27 =	vld.idx.msk [tilespmem:v49+s29+$0x0], $0xffff;
	[tilespmem:s18+$0xF0] =	vst v23  }
0x275: {  	[tilespmem:s18+$0xFFFFFFB0] =	vst v24;
	v23 =	vld.idx.msk [tilespmem:v28+s29+$0x0], $0xffff  }
0x276: {  	v24 =	vld.idx.msk [tilespmem:v50+s29+$0x0], $0xffff;
	[tilespmem:s18+$0xFFFFFFC0] =	vst v26  }
0x277: {  	v5 =	vor.u32 $0x380, v5;
	v26 =	vld.idx.msk [tilespmem:v51+s29+$0x0], $0xffff;
	[tilespmem:s18+$0xFFFFFFD0] =	vst v29  }
0x278: {  	v28 =	vld.idx.msk [tilespmem:v52+s29+$0x0], $0xffff;
	[tilespmem:s18+$0xFFFFFFE0] =	vst v25  }
0x279: {  	[tilespmem:s18+$0x0] =	vst v30;
	v25 =	vld.idx.msk [tilespmem:v53+s29+$0x0], $0xffff  }
0x27a: {  	[tilespmem:s18+$0x10] =	vst v27;
	v27 =	vld.idx.msk [tilespmem:v55+s29+$0x0], $0xffff  }
0x27b: {  	v29 =	vld.idx.msk [tilespmem:v54+s29+$0x0], $0xffff;
	[tilespmem:s18+$0x170] =	vst v23  }
0x27c: {  	[tilespmem:s18+$0x20] =	vst v24;
	v5 =	vld.idx.msk [tilespmem:v5+s29+$0x0], $0xffff  }
0x27d: {  	v20 =	vld.idx.msk [tilespmem:v20+s29+$0x0], $0xffff;
	[tilespmem:s18+$0x30] =	vst v26  }
0x27e: {  	v22 =	vld.idx.msk [tilespmem:v22+s29+$0x0], $0xffff;
	[tilespmem:s18+$0x40] =	vst v28  }
0x27f: {  	v21 =	vld.idx.msk [tilespmem:v21+s29+$0x0], $0xffff;
	[tilespmem:s18+$0x50] =	vst v25  }
0x280: {  	v23 =	vld.idx.msk [tilespmem:v17+s29+$0x0], $0xffff;
	[tilespmem:s18+$0x60] =	vst v27  }
0x281: {  	[tilespmem:s18+$0x80] =	vst v29;
	v19 =	vld.idx.msk [tilespmem:v19+s29+$0x0], $0xffff  }
0x282: {  	v17 =	vld.idx.msk [tilespmem:v18+s29+$0x0], $0xffff;
	[tilespmem:s18+$0x1F0] =	vst v5  }
.Ltmp7:
0x283: {  	v16 =	vld.idx.msk [tilespmem:v16+s29+$0x0], $0xffff;
	[tilespmem:s18+$0x90] =	vst v20;
	(pc) =	sbr.rel @p1 .LBB2_11-.Ltmp7, $4  }
0x284: {  	v15 =	vld.idx.msk [tilespmem:v15+s29+$0x0], $0xffff;
	[tilespmem:s18+$0xA0] =	vst v22  }
0x285: {  	v18 =	vld.idx.msk [tilespmem:v12+s29+$0x0], $0xffff;
	[tilespmem:s18+$0xB0] =	vst v21  }
0x286: {  	v5 =	vld.idx.msk [tilespmem:v14+s29+$0x0], $0xffff;
	[tilespmem:s18+$0xC0] =	vst v23  }
0x287: {  	s16 =	sadd.s32 $0x80, s16;
	v12 =	vld.idx.msk [tilespmem:v13+s29+$0x0], $0xffff;
	[tilespmem:s18+$0xD0] =	vst v19  }
0x288: {  	_ =	sdelay $0x2  }
0x289: {  	[tilespmem:s18+$0xE0] =	vst v17  }
0x28a: {  	[tilespmem:s18+$0x100] =	vst v16;
	v10 =	vld.idx.msk [tilespmem:v10+s29+$0x0], $0xffff  }
0x28b: {  	[tilespmem:s18+$0x110] =	vst v15;
	v11 =	vld.idx.msk [tilespmem:v11+s29+$0x0], $0xffff  }
0x28c: {  	v9 =	vld.idx.msk [tilespmem:v9+s29+$0x0], $0xffff;
	[tilespmem:s18+$0x120] =	vst v18  }
0x28d: {  	[tilespmem:s18+$0x130] =	vst v5;
	v5 =	vld.idx.msk [tilespmem:v8+s29+$0x0], $0xffff  }
0x28e: {  	v7 =	vld.idx.msk [tilespmem:v7+s29+$0x0], $0xffff;
	[tilespmem:s18+$0x140] =	vst v12  }
0x28f: {  	v6 =	vld.idx.msk [tilespmem:v6+s29+$0x0], $0xffff;
	[tilespmem:s18+$0x150] =	vst v10  }
0x290: {  	v4 =	vld.idx.msk [tilespmem:v4+s29+$0x0], $0xffff;
	[tilespmem:s18+$0x160] =	vst v11  }
0x291: {  	[tilespmem:s18+$0x180] =	vst v9;
	v3 =	vld.idx.msk [tilespmem:v3+s29+$0x0], $0xffff  }
0x292: {  	v2 =	vld.idx.msk [tilespmem:v2+s29+$0x0], $0xffff;
	[tilespmem:s30+$0x190] =	vst v5  }
0x293: {  	[tilespmem:s30+$0x1A0] =	vst v7  }
0x294: {  	[tilespmem:s30+$0x1B0] =	vst v6  }
0x295: {  	[tilespmem:s30+$0x1C0] =	vst v4  }
0x296: {  	[tilespmem:s30+$0x1D0] =	vst v3  }
0x297: {  	s6 =	sadd.s32 $0x1000, s0;
	[tilespmem:s30+$0x1E0] =	vst v2  }
0x298: {  	[hbm4b:s6+s5] =	stream.linear.scatter [tilespmem:s20], [sflag:$0x5], $0x4000, $0x38;
	[tilespmem:$0x1A800] =	vst v63  }
0x299: {  	v2 =	vld.msk @!p0 [tilespmem:s3+$0x300], $0xff;
	_ =	sdelay $0x4  }
0x29a: {  	v3 =	vshll.u32 @!p0 v2, $0x4  }
0x29b: {  	v4 =	vlaneseq.u32 @!p0;
	v2 =	vand.u32 @!p0 $0x7, v2;
	v3 =	vand.u32 @!p0 $0xFFFFFF80, v3  }
0x29c: {  	v2 =	vor.u32 @!p0 v2, v3;
	v3 =	vand.u32 @!p0 $0x7, v4;
	v4 =	vshrl.u32 @!p0 v4, $0x3  }
0x29d: {  	v2 =	vperm.xlane @!p0 v2, v3;
	v3 =	vmul.u32 @!p0 $0x8, v4;
	_ =	sdelay $0x1  }
0x29e: {  	v2 =	vadd.s32 @!p0 v3, v2;
	_ =	sdelay $0x3  }
0x29f: {  	s6 =	simm.s32 @!p0 $0xA800;
	s3 =	simm.s32 @!p0 $0x0  }
0x2a0: {  	[tilespmem:s6], [sflag:$0x3] =	stream.indirect_vreg.gather @!p0 [hbm4b:s1+s3], $0x80, v2, vm1, $0xb8;
	[tilespmem:$0x1A800] =	vst v63  }
0x2a1: {  	s6 =	simm.s32 @!p0 $0xB000  }
0x2a2: {  	[tilespmem:s6], [sflag:$0x3] =	stream.indirect_vreg.gather @!p0 [hbm4b:s8+s3], $0x80, v2, vm1, $0xb8;
	[tilespmem:$0x1A800] =	vst v63  }
0x2a3: {  	s6 =	simm.s32 @!p0 $0xB800  }
0x2a4: {  	[tilespmem:s6], [sflag:$0x3] =	stream.indirect_vreg.gather @!p0 [hbm4b:s9+s3], $0x80, v2, vm1, $0xb8;
	[tilespmem:$0x1A800] =	vst v63  }
0x2a5: {  	s6 =	simm.s32 @!p0 $0xC000  }
0x2a6: {  	[tilespmem:s6], [sflag:$0x3] =	stream.indirect_vreg.gather @!p0 [hbm4b:s10+s3], $0x80, v2, vm1, $0xb8;
	[tilespmem:$0x1A800] =	vst v63  }
0x2a7: {  	s6 =	simm.s32 @!p0 $0xC800  }
0x2a8: {  	[tilespmem:s6], [sflag:$0x3] =	stream.indirect_vreg.gather @!p0 [hbm4b:s11+s3], $0x80, v2, vm1, $0xb8;
	[tilespmem:$0x1A800] =	vst v63  }
0x2a9: {  	s6 =	simm.s32 @!p0 $0xD000  }
0x2aa: {  	[tilespmem:s6], [sflag:$0x3] =	stream.indirect_vreg.gather @!p0 [hbm4b:s12+s3], $0x80, v2, vm1, $0xb8;
	[tilespmem:$0x1A800] =	vst v63  }
0x2ab: {  	s6 =	simm.s32 @!p0 $0xD800  }
0x2ac: {  	[tilespmem:s6], [sflag:$0x3] =	stream.indirect_vreg.gather @!p0 [hbm4b:s13+s3], $0x80, v2, vm1, $0xb8;
	[tilespmem:$0x1A800] =	vst v63  }
0x2ad: {  	s6 =	simm.s32 @!p0 $0xE000  }
0x2ae: {  	[tilespmem:s6], [sflag:$0x3] =	stream.indirect_vreg.gather @!p0 [hbm4b:s14+s3], $0x80, v2, vm1, $0xb8;
	[tilespmem:$0x1A800] =	vst v63  }
0x2af: {  	_ =	swait.ge [sflag:s26], $0x4000  }
0x2b0: {  	[sflag:s26] =	ssyncset.done $0x0  }
0x2b1: {  	[sflag:s26] =	ssyncadd.s32 $0xFFFFC000  }
0x2b2: {  	_ =	swait.ge [sflag:s22], $0x4000  }
0x2b3: {  	[sflag:s22] =	ssyncset.done $0x0  }
0x2b4: {  	s30 =	simm.s32 $0x2040;
	[sflag:s22] =	ssyncadd.s32 $0xFFFFC000  }
0x2b5: {  	v2 =	vld [tilespmem:s30+$0x30];
	_ =	sdelay $0x3  }
0x2b6: {  	v3 =	vld [tilespmem:s30+$0xFFFFFFD0]  }
0x2b7: {  	v4 =	vshll.u32 v2, $0x3  }
0x2b8: {  	v5 =	vld [tilespmem:s30+$0xFFFFFFE0];
	v2 =	vand.u32 $0x7F, v2;
	v4 =	vand.u32 $0xFFFFFC00, v4  }
0x2b9: {  	v7 =	vld [tilespmem:s30+$0xFFFFFFC0];
	v6 =	vor.u32 v2, v4;
	_ =	sdelay $0x1  }
0x2ba: {  	v4 =	vld [tilespmem:s30+$0xFFFFFFF0];
	v2 =	vshll.u32 v3, $0x3  }
0x2bb: {  	v9 =	vld [tilespmem:s30+$0x10];
	v3 =	vand.u32 $0x7F, v3;
	v10 =	vand.u32 $0xFFFFFC00, v2  }
0x2bc: {  	v8 =	vld [tilespmem:s30+$0x0];
	v2 =	vshll.u32 v5, $0x3;
	v3 =	vor.u32 v3, v10  }
0x2bd: {  	v13 =	vor.u32 $0x80, v6;
	v11 =	vand.u32 $0xFFFFFC00, v2;
	v2 =	vshll.u32 v7, $0x3;
	v12 =	vld.idx.msk [tilespmem:v6+s31+$0x0], $0xffff  }
0x2be: {  	v14 =	vld [tilespmem:s30+$0x20];
	v5 =	vand.u32 $0x7F, v5;
	v7 =	vand.u32 $0x7F, v7;
	v2 =	vand.u32 $0xFFFFFC00, v2  }
0x2bf: {  	v2 =	vor.u32 v7, v2;
	v15 =	vshll.u32 v4, $0x3;
	v10 =	vand.u32 $0x7F, v4  }
0x2c0: {  	v4 =	vor.u32 v5, v11;
	v11 =	vshll.u32 v9, $0x3;
	v7 =	vand.u32 $0xFFFFFC00, v15  }
0x2c1: {  	s3 =	simm.s32 $0x16A00;
	v15 =	vshll.u32 v8, $0x3;
	v5 =	vor.u32 v10, v7;
	v7 =	vand.u32 $0xFFFFFC00, v11;
	v11 =	vld.idx.msk [tilespmem:v3+s31+$0x0], $0xffff  }
0x2c2: {  	v17 =	vor.u32 $0x80, v3;
	v8 =	vand.u32 $0x7F, v8;
	v15 =	vand.u32 $0xFFFFFC00, v15;
	[tilespmem:s3+$0xFFFFFE70] =	vst v12  }
0x2c3: {  	v9 =	vand.u32 $0x7F, v9;
	v10 =	vshll.u32 v14, $0x3;
	v12 =	vor.u32 v8, v15;
	v8 =	vld.idx.msk [tilespmem:v13+s31+$0x0], $0xffff  }
0x2c4: {  	v13 =	vor.u32 v9, v7;
	v7 =	vld.idx.msk [tilespmem:v2+s31+$0x0], $0xffff;
	v9 =	vand.u32 $0xFFFFFC00, v10;
	v10 =	vand.u32 $0x7F, v14  }
0x2c5: {  	v15 =	vor.u32 $0x100, v6;
	v14 =	vor.u32 v10, v9;
	v9 =	vld.idx.msk [tilespmem:v4+s31+$0x0], $0xffff  }
0x2c6: {  	v10 =	vor.u32 $0x80, v2;
	v16 =	vld.idx.msk [tilespmem:v5+s31+$0x0], $0xffff;
	[tilespmem:s3+$0xFFFFFE10] =	vst v11  }
0x2c7: {  	v17 =	vld.idx.msk [tilespmem:v17+s31+$0x0], $0xffff  }
0x2c8: {  	v19 =	vor.u32 $0x80, v4;
	v18 =	vld.idx.msk [tilespmem:v12+s31+$0x0], $0xffff  }
0x2c9: {  	v20 =	vld.idx.msk [tilespmem:v13+s31+$0x0], $0xffff;
	[tilespmem:s3+$0xFFFFFEF0] =	vst v8;
	v8 =	vor.u32 $0x80, v5  }
0x2ca: {  	[tilespmem:s3+$0xFFFFFE00] =	vst v7;
	v7 =	vld.idx.msk [tilespmem:v15+s31+$0x0], $0xffff;
	v15 =	vor.u32 $0x80, v12  }
0x2cb: {  	v21 =	vor.u32 $0x80, v13;
	v10 =	vld.idx.msk [tilespmem:v10+s31+$0x0], $0xffff;
	[tilespmem:s3+$0xFFFFFE20] =	vst v9  }
0x2cc: {  	v11 =	vld.idx.msk [tilespmem:v14+s31+$0x0], $0xffff;
	v9 =	vor.u32 $0x180, v6;
	[tilespmem:s3+$0xFFFFFE30] =	vst v16  }
0x2cd: {  	v16 =	vor.u32 $0x80, v14;
	v19 =	vld.idx.msk [tilespmem:v19+s31+$0x0], $0xffff;
	[tilespmem:s3+$0xFFFFFE40] =	vst v18  }
0x2ce: {  	v18 =	vor.u32 $0x100, v2;
	v8 =	vld.idx.msk [tilespmem:v8+s31+$0x0], $0xffff;
	[tilespmem:s3+$0xFFFFFE50] =	vst v20  }
0x2cf: {  	v20 =	vor.u32 $0x100, v3;
	v15 =	vld.idx.msk [tilespmem:v15+s31+$0x0], $0xffff;
	[tilespmem:s3+$0xFFFFFF70] =	vst v7  }
0x2d0: {  	v7 =	vor.u32 $0x100, v4;
	[tilespmem:s3+$0xFFFFFE80] =	vst v10;
	v10 =	vld.idx.msk [tilespmem:v21+s31+$0x0], $0xffff  }
0x2d1: {  	[tilespmem:s3+$0xFFFFFE60] =	vst v11;
	v11 =	vor.u32 $0x100, v5;
	v9 =	vld.idx.msk [tilespmem:v9+s31+$0x0], $0xffff  }
0x2d2: {  	v61 =	vor.u32 $0x100, v12;
	[tilespmem:s3+$0xFFFFFE90] =	vst v17;
	v16 =	vld.idx.msk [tilespmem:v16+s31+$0x0], $0xffff  }
0x2d3: {  	[tilespmem:s3+$0xFFFFFEA0] =	vst v19;
	v19 =	vor.u32 $0x100, v13;
	v18 =	vld.idx.msk [tilespmem:v18+s31+$0x0], $0xffff  }
0x2d4: {  	v17 =	vor.u32 $0x200, v6;
	v20 =	vld.idx.msk [tilespmem:v20+s31+$0x0], $0xffff;
	[tilespmem:s3+$0xFFFFFEB0] =	vst v8  }
0x2d5: {  	v8 =	vor.u32 $0x100, v14;
	v7 =	vld.idx.msk [tilespmem:v7+s31+$0x0], $0xffff;
	[tilespmem:s3+$0xFFFFFEC0] =	vst v15  }
0x2d6: {  	v15 =	vor.u32 $0x180, v2;
	v11 =	vld.idx.msk [tilespmem:v11+s31+$0x0], $0xffff;
	[tilespmem:s3+$0xFFFFFED0] =	vst v10  }
0x2d7: {  	[tilespmem:s3+$0xFFFFFFF0] =	vst v9;
	v9 =	vor.u32 $0x180, v3;
	v21 =	vld.idx.msk [tilespmem:v61+s31+$0x0], $0xffff  }
0x2d8: {  	[tilespmem:s3+$0xFFFFFEE0] =	vst v16;
	v16 =	vld.idx.msk [tilespmem:v19+s31+$0x0], $0xffff;
	v19 =	vor.u32 $0x180, v5  }
0x2d9: {  	v10 =	vld.idx.msk [tilespmem:v17+s31+$0x0], $0xffff;
	v17 =	vor.u32 $0x180, v4;
	[tilespmem:s3+$0xFFFFFF00] =	vst v18  }
0x2da: {  	v18 =	vor.u32 $0x280, v6;
	[tilespmem:s3+$0xFFFFFF10] =	vst v20;
	v8 =	vld.idx.msk [tilespmem:v8+s31+$0x0], $0xffff  }
0x2db: {  	v20 =	vor.u32 $0x180, v12;
	v15 =	vld.idx.msk [tilespmem:v15+s31+$0x0], $0xffff;
	[tilespmem:s3+$0xFFFFFF20] =	vst v7  }
0x2dc: {  	v7 =	vor.u32 $0x180, v13;
	[tilespmem:s3+$0xFFFFFF30] =	vst v11;
	v9 =	vld.idx.msk [tilespmem:v9+s31+$0x0], $0xffff  }
0x2dd: {  	v11 =	vor.u32 $0x180, v14;
	[tilespmem:s3+$0xFFFFFF40] =	vst v21;
	v19 =	vld.idx.msk [tilespmem:v19+s31+$0x0], $0xffff  }
0x2de: {  	v17 =	vld.idx.msk [tilespmem:v17+s31+$0x0], $0xffff;
	[tilespmem:s3+$0x70] =	vst v10;
	v10 =	vor.u32 $0x200, v2  }
0x2df: {  	v62 =	vor.u32 $0x200, v3;
	[tilespmem:s3+$0xFFFFFF50] =	vst v16;
	v18 =	vld.idx.msk [tilespmem:v18+s31+$0x0], $0xffff  }
0x2e0: {  	v16 =	vld.idx.msk [tilespmem:v20+s31+$0x0], $0xffff;
	[tilespmem:s3+$0xFFFFFF60] =	vst v8;
	v8 =	vor.u32 $0x300, v6  }
0x2e1: {  	v20 =	vor.u32 $0x200, v4;
	[tilespmem:s3+$0xFFFFFF80] =	vst v15;
	v7 =	vld.idx.msk [tilespmem:v7+s31+$0x0], $0xffff  }
0x2e2: {  	v15 =	vor.u32 $0x200, v5;
	[tilespmem:s3+$0xFFFFFF90] =	vst v9;
	v9 =	vld.idx.msk [tilespmem:v11+s31+$0x0], $0xffff  }
0x2e3: {  	v11 =	vor.u32 $0x200, v12;
	v10 =	vld.idx.msk [tilespmem:v10+s31+$0x0], $0xffff;
	[tilespmem:s3+$0xFFFFFFA0] =	vst v17  }
0x2e4: {  	v17 =	vor.u32 $0x200, v13;
	v21 =	vld.idx.msk [tilespmem:v62+s31+$0x0], $0xffff;
	[tilespmem:s3+$0xF0] =	vst v18  }
0x2e5: {  	[tilespmem:s3+$0xFFFFFFB0] =	vst v19;
	v18 =	vor.u32 $0x200, v14;
	v8 =	vld.idx.msk [tilespmem:v8+s31+$0x0], $0xffff  }
0x2e6: {  	v19 =	vor.u32 $0x280, v2;
	v20 =	vld.idx.msk [tilespmem:v20+s31+$0x0], $0xffff;
	[tilespmem:s3+$0xFFFFFFC0] =	vst v16  }
0x2e7: {  	v6 =	vor.u32 $0x380, v6;
	v15 =	vld.idx.msk [tilespmem:v15+s31+$0x0], $0xffff;
	[tilespmem:s3+$0xFFFFFFD0] =	vst v7  }
0x2e8: {  	v7 =	vor.u32 $0x280, v3;
	v11 =	vld.idx.msk [tilespmem:v11+s31+$0x0], $0xffff;
	[tilespmem:s3+$0xFFFFFFE0] =	vst v9  }
0x2e9: {  	v9 =	vor.u32 $0x280, v4;
	[tilespmem:s3+$0x0] =	vst v10;
	v10 =	vld.idx.msk [tilespmem:v17+s31+$0x0], $0xffff  }
0x2ea: {  	v16 =	vor.u32 $0x280, v5;
	[tilespmem:s3+$0x10] =	vst v21;
	v17 =	vld.idx.msk [tilespmem:v18+s31+$0x0], $0xffff  }
0x2eb: {  	v18 =	vor.u32 $0x280, v12;
	v19 =	vld.idx.msk [tilespmem:v19+s31+$0x0], $0xffff;
	[tilespmem:s3+$0x170] =	vst v8  }
0x2ec: {  	v8 =	vor.u32 $0x280, v13;
	[tilespmem:s3+$0x20] =	vst v20;
	v6 =	vld.idx.msk [tilespmem:v6+s31+$0x0], $0xffff  }
0x2ed: {  	v20 =	vor.u32 $0x280, v14;
	v7 =	vld.idx.msk [tilespmem:v7+s31+$0x0], $0xffff;
	[tilespmem:s3+$0x30] =	vst v15  }
0x2ee: {  	v15 =	vor.u32 $0x300, v2;
	v9 =	vld.idx.msk [tilespmem:v9+s31+$0x0], $0xffff;
	[tilespmem:s3+$0x40] =	vst v11  }
0x2ef: {  	v11 =	vor.u32 $0x300, v3;
	v63 =	vld.idx.msk [tilespmem:v16+s31+$0x0], $0xffff;
	[tilespmem:s3+$0x50] =	vst v10  }
0x2f0: {  	v22 =	vor.u32 $0x300, v4;
	v23 =	vld.idx.msk [tilespmem:v18+s31+$0x0], $0xffff;
	[tilespmem:s3+$0x60] =	vst v17  }
0x2f1: {  	v24 =	vor.u32 $0x300, v5;
	[tilespmem:s3+$0x80] =	vst v19;
	v19 =	vld.idx.msk [tilespmem:v8+s31+$0x0], $0xffff  }
0x2f2: {  	v25 =	vor.u32 $0x300, v12;
	v17 =	vld.idx.msk [tilespmem:v20+s31+$0x0], $0xffff;
	[tilespmem:s3+$0x1F0] =	vst v6  }
0x2f3: {  	v16 =	vld.idx.msk [tilespmem:v15+s31+$0x0], $0xffff;
	[tilespmem:s3+$0x90] =	vst v7  }
0x2f4: {  	v15 =	vld.idx.msk [tilespmem:v11+s31+$0x0], $0xffff;
	[tilespmem:s3+$0xA0] =	vst v9  }
0x2f5: {  	v10 =	vor.u32 $0x300, v13;
	v8 =	vor.u32 $0x380, v3;
	v3 =	vor.u32 $0x380, v13;
	[tilespmem:s3+$0xB0] =	vst v63;
	v18 =	vld.idx.msk [tilespmem:v22+s31+$0x0], $0xffff  }
0x2f6: {  	v7 =	vor.u32 $0x380, v4;
	v6 =	vor.u32 $0x380, v5;
	v4 =	vor.u32 $0x380, v12;
	v5 =	vld.idx.msk [tilespmem:v24+s31+$0x0], $0xffff;
	[tilespmem:s3+$0xC0] =	vst v23  }
0x2f7: {  	s16 =	simm.s32 $0x20C0;
	s18 =	simm.s32 $0x16A00;
	s6 =	simm.s32 $0x0;
	v9 =	vor.u32 $0x380, v2;
	v11 =	vor.u32 $0x300, v14;
	v2 =	vor.u32 $0x380, v14;
	v12 =	vld.idx.msk [tilespmem:v25+s31+$0x0], $0xffff;
	[tilespmem:s3+$0xD0] =	vst v19  }
.LBB2_13:
0x2f8: {  	v13 =	vld [tilespmem:s16+$0x30];
	s6 =	sadd.s32 $0x8, s6;
	[tilespmem:s3+$0xE0] =	vst v17  }
0x2f9: {  	v14 =	vld [tilespmem:s16+$0xFFFFFFD0];
	p1 =	slt.u32 s6, $0x78;
	[tilespmem:s3+$0x100] =	vst v16  }
0x2fa: {  	v16 =	vld [tilespmem:s16+$0xFFFFFFE0];
	[tilespmem:s3+$0x110] =	vst v15  }
0x2fb: {  	v15 =	vld [tilespmem:s16+$0xFFFFFFF0];
	[tilespmem:s3+$0x120] =	vst v18  }
0x2fc: {  	v17 =	vld [tilespmem:s16+$0x0];
	[tilespmem:s3+$0x130] =	vst v5  }
0x2fd: {  	v18 =	vld [tilespmem:s16+$0x10];
	v5 =	vshll.u32 v13, $0x3;
	[tilespmem:s3+$0x140] =	vst v12  }
0x2fe: {  	v13 =	vand.u32 $0x7F, v13;
	v12 =	vshll.u32 v14, $0x3;
	v19 =	vld [tilespmem:s16+$0x20];
	v5 =	vand.u32 $0xFFFFFC00, v5  }
0x2ff: {  	v20 =	vld [tilespmem:s16+$0xFFFFFFC0];
	v12 =	vand.u32 $0xFFFFFC00, v12;
	v21 =	vshll.u32 v16, $0x3;
	v5 =	vor.u32 v13, v5  }
0x300: {  	v13 =	vand.u32 $0x7F, v14;
	v14 =	vand.u32 $0xFFFFFC00, v21;
	v21 =	vshll.u32 v15, $0x3;
	v10 =	vld.idx.msk [tilespmem:v10+s31+$0x0], $0xffff  }
0x301: {  	v16 =	vand.u32 $0x7F, v16;
	v21 =	vand.u32 $0xFFFFFC00, v21;
	v22 =	vshll.u32 v17, $0x3;
	v11 =	vld.idx.msk [tilespmem:v11+s31+$0x0], $0xffff  }
0x302: {  	v15 =	vand.u32 $0x7F, v15;
	v22 =	vand.u32 $0xFFFFFC00, v22;
	v23 =	vshll.u32 v18, $0x3;
	v9 =	vld.idx.msk [tilespmem:v9+s31+$0x0], $0xffff  }
0x303: {  	v17 =	vand.u32 $0x7F, v17;
	v23 =	vand.u32 $0xFFFFFC00, v23;
	v24 =	vshll.u32 v19, $0x3;
	v8 =	vld.idx.msk [tilespmem:v8+s31+$0x0], $0xffff  }
0x304: {  	v25 =	vand.u32 $0x7F, v20;
	v20 =	vshll.u32 v20, $0x3;
	v24 =	vand.u32 $0xFFFFFC00, v24;
	v26 =	vld.idx.msk [tilespmem:v5+s31+$0x0], $0xffff  }
0x305: {  	v18 =	vand.u32 $0x7F, v18;
	v19 =	vand.u32 $0x7F, v19;
	v20 =	vand.u32 $0xFFFFFC00, v20;
	v7 =	vld.idx.msk [tilespmem:v7+s31+$0x0], $0xffff  }
0x306: {  	v27 =	vor.u32 v13, v12;
	v12 =	vor.u32 $0x80, v5;
	v25 =	vor.u32 v25, v20;
	v6 =	vld.idx.msk [tilespmem:v6+s31+$0x0], $0xffff;
	[tilespmem:s3+$0x150] =	vst v10  }
0x307: {  	v28 =	vor.u32 v16, v14;
	v29 =	vor.u32 v15, v21;
	v30 =	vor.u32 v17, v22;
	[tilespmem:s3+$0x160] =	vst v11  }
0x308: {  	v23 =	vor.u32 v18, v23;
	v24 =	vor.u32 v19, v24;
	v10 =	vor.u32 $0x80, v25;
	[tilespmem:s3+$0x180] =	vst v9;
	v4 =	vld.idx.msk [tilespmem:v4+s31+$0x0], $0xffff  }
0x309: {  	v31 =	vor.u32 $0x80, v29;
	v11 =	vor.u32 $0x80, v28;
	v9 =	vor.u32 $0x80, v27;
	s3 =	sadd.s32 $0x400, s3;
	[tilespmem:s18+$0x190] =	vst v8;
	v3 =	vld.idx.msk [tilespmem:v3+s31+$0x0], $0xffff  }
0x30a: {  	v32 =	vor.u32 $0x80, v30;
	v33 =	vor.u32 $0x80, v23;
	v34 =	vor.u32 $0x80, v24;
	[tilespmem:s3+$0xFFFFFE70] =	vst v26;
	v2 =	vld.idx.msk [tilespmem:v2+s31+$0x0], $0xffff  }
0x30b: {  	v35 =	vor.u32 $0x100, v27;
	v36 =	vor.u32 $0x100, v28;
	v26 =	vor.u32 $0x100, v25;
	v8 =	vld.idx.msk [tilespmem:v12+s31+$0x0], $0xffff;
	[tilespmem:s18+$0x1A0] =	vst v7  }
0x30c: {  	v37 =	vor.u32 $0x100, v29;
	v38 =	vor.u32 $0x100, v30;
	v39 =	vor.u32 $0x100, v23;
	v7 =	vld.idx.msk [tilespmem:v25+s31+$0x0], $0xffff;
	[tilespmem:s18+$0x1B0] =	vst v6  }
0x30d: {  	v41 =	vor.u32 $0x100, v24;
	v40 =	vor.u32 $0x180, v25;
	v12 =	vor.u32 $0x100, v5;
	v6 =	vld.idx.msk [tilespmem:v27+s31+$0x0], $0xffff  }
0x30e: {  	v42 =	vor.u32 $0x180, v27;
	v43 =	vor.u32 $0x180, v28;
	v44 =	vor.u32 $0x180, v29;
	v13 =	vld.idx.msk [tilespmem:v28+s31+$0x0], $0xffff;
	[tilespmem:s18+$0x1C0] =	vst v4  }
0x30f: {  	v45 =	vor.u32 $0x180, v30;
	v46 =	vor.u32 $0x180, v23;
	v47 =	vor.u32 $0x180, v24;
	v4 =	vld.idx.msk [tilespmem:v29+s31+$0x0], $0xffff;
	[tilespmem:s18+$0x1D0] =	vst v3  }
0x310: {  	v49 =	vor.u32 $0x200, v27;
	v50 =	vor.u32 $0x200, v28;
	v48 =	vor.u32 $0x200, v25;
	v3 =	vld.idx.msk [tilespmem:v30+s31+$0x0], $0xffff;
	[tilespmem:s18+$0x1E0] =	vst v2;
	s18 =	smov.u32 s3  }
0x311: {  	v51 =	vor.u32 $0x200, v29;
	v52 =	vor.u32 $0x200, v30;
	v53 =	vor.u32 $0x200, v23;
	v2 =	vld.idx.msk [tilespmem:v23+s31+$0x0], $0xffff;
	[tilespmem:s3+$0xFFFFFEF0] =	vst v8  }
0x312: {  	v20 =	vor.u32 $0x280, v27;
	v55 =	vor.u32 $0x200, v24;
	v54 =	vor.u32 $0x280, v25;
	[tilespmem:s3+$0xFFFFFE00] =	vst v7;
	v56 =	vld.idx.msk [tilespmem:v12+s31+$0x0], $0xffff  }
0x313: {  	v22 =	vor.u32 $0x280, v28;
	v21 =	vor.u32 $0x280, v29;
	v17 =	vor.u32 $0x280, v30;
	[tilespmem:s3+$0xFFFFFE10] =	vst v6;
	v57 =	vld.idx.msk [tilespmem:v24+s31+$0x0], $0xffff  }
0x314: {  	v59 =	vor.u32 $0x180, v5;
	v19 =	vor.u32 $0x280, v23;
	v18 =	vor.u32 $0x280, v24;
	v58 =	vld.idx.msk [tilespmem:v10+s31+$0x0], $0xffff;
	[tilespmem:s3+$0xFFFFFE20] =	vst v13  }
0x315: {  	v15 =	vor.u32 $0x300, v27;
	v16 =	vor.u32 $0x300, v25;
	v12 =	vor.u32 $0x300, v28;
	v60 =	vld.idx.msk [tilespmem:v9+s31+$0x0], $0xffff;
	[tilespmem:s3+$0xFFFFFE30] =	vst v4  }
0x316: {  	v14 =	vor.u32 $0x300, v29;
	v13 =	vor.u32 $0x300, v30;
	v10 =	vor.u32 $0x300, v23;
	v61 =	vld.idx.msk [tilespmem:v11+s31+$0x0], $0xffff;
	[tilespmem:s3+$0xFFFFFE40] =	vst v3  }
0x317: {  	v8 =	vor.u32 $0x380, v27;
	v9 =	vor.u32 $0x380, v25;
	v11 =	vor.u32 $0x300, v24;
	v25 =	vld.idx.msk [tilespmem:v31+s31+$0x0], $0xffff;
	[tilespmem:s3+$0xFFFFFE50] =	vst v2  }
0x318: {  	v7 =	vor.u32 $0x380, v28;
	v6 =	vor.u32 $0x380, v29;
	v4 =	vor.u32 $0x380, v30;
	v27 =	vld.idx.msk [tilespmem:v32+s31+$0x0], $0xffff;
	[tilespmem:s3+$0xFFFFFF70] =	vst v56  }
0x319: {  	v3 =	vor.u32 $0x380, v23;
	v2 =	vor.u32 $0x380, v24;
	[tilespmem:s3+$0xFFFFFE60] =	vst v57;
	v23 =	vld.idx.msk [tilespmem:v59+s31+$0x0], $0xffff  }
0x31a: {  	[tilespmem:s3+$0xFFFFFE80] =	vst v58;
	v24 =	vld.idx.msk [tilespmem:v33+s31+$0x0], $0xffff  }
0x31b: {  	v29 =	vor.u32 $0x200, v5;
	[tilespmem:s3+$0xFFFFFE90] =	vst v60;
	v28 =	vld.idx.msk [tilespmem:v34+s31+$0x0], $0xffff  }
0x31c: {  	v26 =	vld.idx.msk [tilespmem:v26+s31+$0x0], $0xffff;
	[tilespmem:s3+$0xFFFFFEA0] =	vst v61  }
0x31d: {  	v30 =	vld.idx.msk [tilespmem:v35+s31+$0x0], $0xffff;
	[tilespmem:s3+$0xFFFFFEB0] =	vst v25  }
0x31e: {  	v25 =	vld.idx.msk [tilespmem:v36+s31+$0x0], $0xffff;
	[tilespmem:s3+$0xFFFFFEC0] =	vst v27  }
0x31f: {  	v27 =	vld.idx.msk [tilespmem:v37+s31+$0x0], $0xffff;
	[tilespmem:s3+$0xFFFFFFF0] =	vst v23  }
0x320: {  	[tilespmem:s3+$0xFFFFFED0] =	vst v24;
	v23 =	vld.idx.msk [tilespmem:v29+s31+$0x0], $0xffff  }
0x321: {  	v24 =	vld.idx.msk [tilespmem:v38+s31+$0x0], $0xffff;
	[tilespmem:s3+$0xFFFFFEE0] =	vst v28  }
0x322: {  	v28 =	vor.u32 $0x280, v5;
	[tilespmem:s3+$0xFFFFFF00] =	vst v26;
	v26 =	vld.idx.msk [tilespmem:v39+s31+$0x0], $0xffff  }
0x323: {  	[tilespmem:s3+$0xFFFFFF10] =	vst v30;
	v29 =	vld.idx.msk [tilespmem:v41+s31+$0x0], $0xffff  }
0x324: {  	v30 =	vld.idx.msk [tilespmem:v40+s31+$0x0], $0xffff;
	[tilespmem:s3+$0xFFFFFF20] =	vst v25  }
0x325: {  	v25 =	vld.idx.msk [tilespmem:v42+s31+$0x0], $0xffff;
	[tilespmem:s3+$0xFFFFFF30] =	vst v27  }
0x326: {  	v27 =	vld.idx.msk [tilespmem:v43+s31+$0x0], $0xffff;
	[tilespmem:s3+$0x70] =	vst v23  }
0x327: {  	[tilespmem:s3+$0xFFFFFF40] =	vst v24;
	v23 =	vld.idx.msk [tilespmem:v28+s31+$0x0], $0xffff  }
0x328: {  	v24 =	vld.idx.msk [tilespmem:v44+s31+$0x0], $0xffff;
	[tilespmem:s3+$0xFFFFFF50] =	vst v26  }
0x329: {  	v28 =	vor.u32 $0x300, v5;
	v26 =	vld.idx.msk [tilespmem:v45+s31+$0x0], $0xffff;
	[tilespmem:s3+$0xFFFFFF60] =	vst v29  }
0x32a: {  	[tilespmem:s3+$0xFFFFFF80] =	vst v30;
	v29 =	vld.idx.msk [tilespmem:v46+s31+$0x0], $0xffff  }
0x32b: {  	[tilespmem:s3+$0xFFFFFF90] =	vst v25;
	v25 =	vld.idx.msk [tilespmem:v47+s31+$0x0], $0xffff  }
0x32c: {  	v30 =	vld.idx.msk [tilespmem:v48+s31+$0x0], $0xffff;
	[tilespmem:s3+$0xFFFFFFA0] =	vst v27  }
0x32d: {  	v27 =	vld.idx.msk [tilespmem:v49+s31+$0x0], $0xffff;
	[tilespmem:s3+$0xF0] =	vst v23  }
0x32e: {  	[tilespmem:s3+$0xFFFFFFB0] =	vst v24;
	v23 =	vld.idx.msk [tilespmem:v28+s31+$0x0], $0xffff  }
0x32f: {  	v24 =	vld.idx.msk [tilespmem:v50+s31+$0x0], $0xffff;
	[tilespmem:s3+$0xFFFFFFC0] =	vst v26  }
0x330: {  	v5 =	vor.u32 $0x380, v5;
	v26 =	vld.idx.msk [tilespmem:v51+s31+$0x0], $0xffff;
	[tilespmem:s3+$0xFFFFFFD0] =	vst v29  }
0x331: {  	v28 =	vld.idx.msk [tilespmem:v52+s31+$0x0], $0xffff;
	[tilespmem:s3+$0xFFFFFFE0] =	vst v25  }
0x332: {  	[tilespmem:s3+$0x0] =	vst v30;
	v25 =	vld.idx.msk [tilespmem:v53+s31+$0x0], $0xffff  }
0x333: {  	[tilespmem:s3+$0x10] =	vst v27;
	v27 =	vld.idx.msk [tilespmem:v55+s31+$0x0], $0xffff  }
0x334: {  	v29 =	vld.idx.msk [tilespmem:v54+s31+$0x0], $0xffff;
	[tilespmem:s3+$0x170] =	vst v23  }
0x335: {  	[tilespmem:s3+$0x20] =	vst v24;
	v5 =	vld.idx.msk [tilespmem:v5+s31+$0x0], $0xffff  }
0x336: {  	v20 =	vld.idx.msk [tilespmem:v20+s31+$0x0], $0xffff;
	[tilespmem:s3+$0x30] =	vst v26  }
0x337: {  	v22 =	vld.idx.msk [tilespmem:v22+s31+$0x0], $0xffff;
	[tilespmem:s3+$0x40] =	vst v28  }
0x338: {  	v21 =	vld.idx.msk [tilespmem:v21+s31+$0x0], $0xffff;
	[tilespmem:s3+$0x50] =	vst v25  }
0x339: {  	v23 =	vld.idx.msk [tilespmem:v17+s31+$0x0], $0xffff;
	[tilespmem:s3+$0x60] =	vst v27  }
0x33a: {  	[tilespmem:s3+$0x80] =	vst v29;
	v19 =	vld.idx.msk [tilespmem:v19+s31+$0x0], $0xffff  }
0x33b: {  	v17 =	vld.idx.msk [tilespmem:v18+s31+$0x0], $0xffff;
	[tilespmem:s3+$0x1F0] =	vst v5  }
.Ltmp8:
0x33c: {  	v16 =	vld.idx.msk [tilespmem:v16+s31+$0x0], $0xffff;
	[tilespmem:s3+$0x90] =	vst v20;
	(pc) =	sbr.rel @p1 .LBB2_13-.Ltmp8, $4  }
0x33d: {  	v15 =	vld.idx.msk [tilespmem:v15+s31+$0x0], $0xffff;
	[tilespmem:s3+$0xA0] =	vst v22  }
0x33e: {  	v18 =	vld.idx.msk [tilespmem:v12+s31+$0x0], $0xffff;
	[tilespmem:s3+$0xB0] =	vst v21  }
0x33f: {  	v5 =	vld.idx.msk [tilespmem:v14+s31+$0x0], $0xffff;
	[tilespmem:s3+$0xC0] =	vst v23  }
0x340: {  	s16 =	sadd.s32 $0x80, s16;
	v12 =	vld.idx.msk [tilespmem:v13+s31+$0x0], $0xffff;
	[tilespmem:s3+$0xD0] =	vst v19  }
0x341: {  	_ =	sdelay $0x2  }
0x342: {  	[tilespmem:s3+$0xE0] =	vst v17  }
0x343: {  	[tilespmem:s3+$0x100] =	vst v16;
	v10 =	vld.idx.msk [tilespmem:v10+s31+$0x0], $0xffff  }
0x344: {  	[tilespmem:s3+$0x110] =	vst v15;
	v11 =	vld.idx.msk [tilespmem:v11+s31+$0x0], $0xffff  }
0x345: {  	v9 =	vld.idx.msk [tilespmem:v9+s31+$0x0], $0xffff;
	[tilespmem:s3+$0x120] =	vst v18  }
0x346: {  	v63 =	vld.idx.msk [tilespmem:v8+s31+$0x0], $0xffff;
	[tilespmem:s3+$0x130] =	vst v5  }
0x347: {  	v7 =	vld.idx.msk [tilespmem:v7+s31+$0x0], $0xffff;
	[tilespmem:s3+$0x140] =	vst v12  }
0x348: {  	v6 =	vld.idx.msk [tilespmem:v6+s31+$0x0], $0xffff;
	[tilespmem:s3+$0x150] =	vst v10  }
0x349: {  	v4 =	vld.idx.msk [tilespmem:v4+s31+$0x0], $0xffff;
	[tilespmem:s3+$0x160] =	vst v11  }
0x34a: {  	[tilespmem:s3+$0x180] =	vst v9;
	v3 =	vld.idx.msk [tilespmem:v3+s31+$0x0], $0xffff  }
0x34b: {  	[tilespmem:s18+$0x190] =	vst v63;
	v2 =	vld.idx.msk [tilespmem:v2+s31+$0x0], $0xffff  }
0x34c: {  	[tilespmem:s18+$0x1A0] =	vst v7  }
.Ltmp9:
0x34d: {  	[tilespmem:s18+$0x1B0] =	vst v6;
	(pc) =	sbr.rel @p0 .LBB2_16-.Ltmp9, $4  }
0x34e: {  	[tilespmem:s18+$0x1C0] =	vst v4  }
0x34f: {  	[tilespmem:s18+$0x1D0] =	vst v3  }
0x350: {  	s0 =	sadd.s32 $0x1800, s0;
	[tilespmem:s18+$0x1E0] =	vst v2  }
0x351: {  	[hbm4b:s0+s5] =	stream.linear.scatter [tilespmem:s23], [sflag:$0x6], $0x4000, $0x38;
	[tilespmem:$0x1A800] =	vst v63  }
0x352: {  	s0 =	sshrl.u32 s2, $0x2  }
0x353: {  	v2 =	vld.msk [tilespmem:s0+$0x380], $0xff;
	_ =	sdelay $0x4  }
0x354: {  	v3 =	vshll.u32 v2, $0x4  }
0x355: {  	v2 =	vand.u32 $0x7, v2;
	v3 =	vand.u32 $0xFFFFFF80, v3  }
0x356: {  	v2 =	vor.u32 v2, v3  }
0x357: {  	v2 =	vperm.xlane v2, v0;
	_ =	sdelay $0x1  }
0x358: {  	v2 =	vadd.s32 v1, v2;
	_ =	sdelay $0x4  }
0x359: {  	[tilespmem:s31], [sflag:$0x4] =	stream.indirect_vreg.gather [hbm4b:s1+s5], $0x80, v2, vm0, $0xb8;
	[tilespmem:$0x1A800] =	vst v63  }
0x35a: {  	s30 =	simm.s32 $0xF000  }
0x35b: {  	[tilespmem:s30], [sflag:$0x4] =	stream.indirect_vreg.gather [hbm4b:s8+s5], $0x80, v2, vm0, $0xb8;
	[tilespmem:$0x1A800] =	vst v63  }
0x35c: {  	s2 =	simm.s32 $0xF800  }
0x35d: {  	[tilespmem:s2], [sflag:$0x4] =	stream.indirect_vreg.gather [hbm4b:s9+s5], $0x80, v2, vm0, $0xb8;
	[tilespmem:$0x1A800] =	vst v63  }
0x35e: {  	s3 =	simm.s32 $0x10000  }
0x35f: {  	[tilespmem:s3], [sflag:$0x4] =	stream.indirect_vreg.gather [hbm4b:s10+s5], $0x80, v2, vm0, $0xb8;
	[tilespmem:$0x1A800] =	vst v63  }
0x360: {  	s6 =	simm.s32 $0x10800  }
0x361: {  	[tilespmem:s6], [sflag:$0x4] =	stream.indirect_vreg.gather [hbm4b:s11+s5], $0x80, v2, vm0, $0xb8;
	[tilespmem:$0x1A800] =	vst v63  }
0x362: {  	s16 =	simm.s32 $0x11000  }
0x363: {  	[tilespmem:s16], [sflag:$0x4] =	stream.indirect_vreg.gather [hbm4b:s12+s5], $0x80, v2, vm0, $0xb8;
	[tilespmem:$0x1A800] =	vst v63  }
.Ltmp10:
0x364: {  	_ = 	snop;
	(pc) =	sbr.rel .LBB2_2-.Ltmp10, $4  }
0x365: {  	s18 =	simm.s32 $0x11800  }
0x366: {  	[tilespmem:s18], [sflag:$0x4] =	stream.indirect_vreg.gather [hbm4b:s13+s5], $0x80, v2, vm0, $0xb8;
	[tilespmem:$0x1A800] =	vst v63  }
0x367: {  	s4 =	sadd.s32 $0x1, s4;
	s30 =	simm.s32 $0x12000  }
0x368: {  	[tilespmem:s30], [sflag:$0x4] =	stream.indirect_vreg.gather [hbm4b:s14+s5], $0x80, v2, vm0, $0xb8;
	[tilespmem:$0x1A800] =	vst v63  }
.LBB2_17:
0x369: {  	_ =	sfence.sel $0x180000  }
0x36a: {  	[bflag:$0x0] =	sbarrier.arrive $0xFFFF  }
0x36b: {  	_ =	strace $0x90000047  }
0x36c: {  	s0 =	stileid.u32;
	[bflag:$0x2] =	sbarrier.arrive $0xFFFF  }
0x36d: {  	p0 =	sne.s32 s0, $0x0;
	s0 =	rddreg [dreg:$0x4]  }
0x36e: {  	s0 =	sadd.s32 @!p0 $0x100000, s0  }
0x36f: {  	[sflag:s0] =	ssyncadd.tile.s32 @!p0 $0x1;
	_ =	shalt  }
.Lfunc_end2:
_tile_overlayer_lowered:
.L_overlay_start_2:
0x370: {  	(tag) =	ssettag $0x2  }
0x371: {  	s0 =	rddreg [dreg:$0x0];
	s2 =	stileid.u32  }
0x372: {  	s1 =	rddreg [dreg:$0x1];
	p0 =	sne.s32 s2, $0x0  }
0x373: {  	s3 =	rddreg [dreg:$0x2];
	[bflag:$0x3] =	sbarrier.arrive $0xFFFF;
	s2 =	simm.s32 @!p0 $0x1C07  }
0x374: {  	[timem:s3], [sflag:s2] =	dma.local @!p0 [hbm:s0], s1  }
0x375: {  	s0 =	simm.s32 @!p0 $0x7  }
0x376: {  	_ =	swait.ge @!p0 [sflag:s0], s1  }
0x377: {  	s1 =	ssub.s32 @!p0 $0x0, s1;
	[sflag:s0] =	ssyncset.done @!p0 $0x0  }
0x378: {  	[sflag:s0] =	ssyncadd.s32 @!p0 s1  }
0x379: {  	[bflag:$0x3] =	sbarrier.arrive $0xFFFF  }
0x37a: {  	_ =	shalt  }

</sc_bundles>
